<compile_context>
chip_gen: v7x
topology: tpu7x:2x2x1
jax: 0.10.2.dev20260603
libtpu: 0.0.44.dev20260713+nightly
codegen_flags: <defaults>
</compile_context>

<pallas_src>
import jax
import jax.numpy as jnp
from jax import lax
from jax.experimental import pallas as pl
from jax.experimental.pallas import tpu as pltpu
from jax.experimental.pallas import tpu_sc as plsc

N = 10000
D = 128
E = 320000
NPAD = 10240
NC = 2
NS = 16
NW = NC * NS
CHUNK = 128
CPT = 80
EPAD = NW * CPT * CHUNK
RPT = NPAD // NS

_MESH = plsc.VectorSubcoreMesh(core_axis_name="c", subcore_axis_name="s")


def _make_segsum(with_deg):

    def body(y_hbm, edges_hbm, out_hbm, *rest):
        if with_deg:
            (deg_hbm, src_v, dst_v, rows_v, ones_v, dwb, acc_sh,
             deg_sh, sem_a, sem_d) = rest
        else:
            (src_v, dst_v, rows_v, acc_sh, sem_a) = rest
        c = lax.axis_index("c")
        s = lax.axis_index("s")
        wid = c * NS + s
        row0 = s * RPT

        def zfill(i, carry):
            for j in range(D // 16):
                rows_v[i, pl.ds(j * 16, 16)] = jnp.zeros((16,), jnp.float32)
            return carry
        lax.fori_loop(0, CHUNK, zfill, 0)
        if with_deg:
            for j in range(CHUNK // 16):
                ones_v[pl.ds(j * 16, 16)] = jnp.ones((16,), jnp.float32)
            for j in range(RPT // 16):
                dwb[pl.ds(j * 16, 16)] = jnp.zeros((16,), jnp.float32)

        def zloop(i, carry):
            pltpu.sync_copy(rows_v, acc_sh.at[pl.ds(row0 + i * CHUNK, CHUNK)])
            return carry
        lax.fori_loop(0, RPT // CHUNK, zloop, 0)
        if with_deg:
            pltpu.sync_copy(dwb, deg_sh.at[pl.ds(row0, RPT)])

        pltpu.sync_copy(edges_hbm.at[wid], dst_v)

        def uloop(i, carry):
            def inner(j, carry2):
                e = dst_v[i, pl.ds(j * 16, 16)]
                src_v[i, pl.ds(j * 16, 16)] = jax.lax.shift_right_logical(
                    e, jnp.full((16,), 14, jnp.int32))
                dst_v[i, pl.ds(j * 16, 16)] = jax.lax.bitwise_and(
                    e, jnp.full((16,), 16383, jnp.int32))
                return carry2
            return lax.fori_loop(0, CHUNK // 16, inner, carry)
        lax.fori_loop(0, CPT, uloop, 0)
        plsc.subcore_barrier()

        def eloop(j, carry):
            pltpu.async_copy(y_hbm.at[src_v.at[j]], rows_v, sem_a).wait()
            if with_deg:
                pltpu.async_copy(ones_v, deg_sh.at[dst_v.at[j]], sem_d,
                                 add=True)
            pltpu.sync_copy(rows_v, acc_sh.at[dst_v.at[j]], add=True)
            return carry
        lax.fori_loop(0, CPT, eloop, 0)
        if with_deg:
            def dloop(j, carry):
                pltpu.make_async_copy(ones_v, deg_sh.at[dst_v.at[0]],
                                      sem_d).wait()
                return carry
            lax.fori_loop(0, CPT, dloop, 0)

        plsc.subcore_barrier()

        out0 = c * NPAD + row0

        def wloop(i, carry):
            r = i * CHUNK
            pltpu.sync_copy(acc_sh.at[pl.ds(row0 + r, CHUNK)], rows_v)
            pltpu.sync_copy(rows_v, out_hbm.at[pl.ds(out0 + r, CHUNK)])
            return carry
        lax.fori_loop(0, RPT // CHUNK, wloop, 0)
        if with_deg:
            pltpu.sync_copy(deg_sh.at[pl.ds(row0, RPT)], dwb)
            pltpu.sync_copy(dwb, deg_hbm.at[pl.ds(out0, RPT)])

    out_type = [jax.ShapeDtypeStruct((NC * NPAD, D), jnp.float32)]
    scratch = [
        pltpu.VMEM((CPT, CHUNK), jnp.int32),
        pltpu.VMEM((CPT, CHUNK), jnp.int32),
        pltpu.VMEM((CHUNK, D), jnp.float32),
    ]
    if with_deg:
        out_type.append(jax.ShapeDtypeStruct((NC * NPAD,), jnp.float32))
        scratch += [
            pltpu.VMEM((CHUNK,), jnp.float32),
            pltpu.VMEM((RPT,), jnp.float32),
        ]
    scratch.append(pltpu.VMEM_SHARED((NPAD, D), jnp.float32))
    if with_deg:
        scratch.append(pltpu.VMEM_SHARED((NPAD,), jnp.float32))
    scratch.append(pltpu.SemaphoreType.DMA)
    if with_deg:
        scratch.append(pltpu.SemaphoreType.DMA)
    return pl.kernel(body, mesh=_MESH, out_type=out_type,
                     scratch_types=scratch)


_segsum_deg = _make_segsum(True)
_segsum = _segsum_deg

_BLK = 1000
_GRID = N // _BLK


def _lead_body(x_ref, w_ref, y0_ref, r0_ref, xs_ref):
    m = jnp.dot(x_ref[...], w_ref[...], preferred_element_type=jnp.float32)
    y0_ref[...] = m[:, :D]
    r0_ref[...] = m[:, D:2 * D]
    xs_ref[...] = m[:, 2 * D:]


def _tc_lead(x, wa):
    return pl.pallas_call(
        _lead_body,
        grid=(_GRID,),
        in_specs=[pl.BlockSpec((_BLK, D), lambda i: (i, 0)),
                  pl.BlockSpec((D, 3 * D), lambda i: (0, 0))],
        out_specs=[pl.BlockSpec((_BLK, D), lambda i: (i, 0)),
                   pl.BlockSpec((_BLK, D), lambda i: (i, 0)),
                   pl.BlockSpec((_BLK, D), lambda i: (i, 0))],
        out_shape=[jax.ShapeDtypeStruct((N, D), jnp.float32),
                   jax.ShapeDtypeStruct((N, D), jnp.float32),
                   jax.ShapeDtypeStruct((N, D), jnp.float32)],
    )(x, wa)


def _prelu(v, a):
    return jnp.where(v >= 0, v, a * v)


def _mid_body(agg_ref, deg_ref, r0_ref, xs_ref, b0_ref, a0_ref, wc_ref,
              y1_ref, r1_ref):
    deg = deg_ref[0] + deg_ref[1]
    invd = 1.0 / jnp.maximum(deg, 1.0)
    h0 = (agg_ref[0] + agg_ref[1]) * invd + b0_ref[...] + r0_ref[...]
    a0 = a0_ref[...]
    z = _prelu(_prelu(h0, a0), a0) + xs_ref[...]
    y = jnp.dot(z, wc_ref[...], preferred_element_type=jnp.float32)
    y1_ref[...] = y[:, :D]
    r1_ref[...] = y[:, D:]


def _tc_mid(agg, deg, r0, xs, b0, a0, wc):
    return pl.pallas_call(
        _mid_body,
        grid=(_GRID,),
        in_specs=[pl.BlockSpec((NC, _BLK, D), lambda i: (0, i, 0)),
                  pl.BlockSpec((NC, _BLK, 1), lambda i: (0, i, 0)),
                  pl.BlockSpec((_BLK, D), lambda i: (i, 0)),
                  pl.BlockSpec((_BLK, D), lambda i: (i, 0)),
                  pl.BlockSpec((1, D), lambda i: (0, 0)),
                  pl.BlockSpec((1, D), lambda i: (0, 0)),
                  pl.BlockSpec((D, 2 * D), lambda i: (0, 0))],
        out_specs=[pl.BlockSpec((_BLK, D), lambda i: (i, 0)),
                   pl.BlockSpec((_BLK, D), lambda i: (i, 0))],
        out_shape=[jax.ShapeDtypeStruct((N, D), jnp.float32),
                   jax.ShapeDtypeStruct((N, D), jnp.float32)],
    )(agg, deg, r0, xs, b0, a0, wc)


def _fin_body(agg_ref, deg_ref, r1_ref, b1_ref, a1_ref, o_ref):
    deg = deg_ref[0] + deg_ref[1]
    invd = 1.0 / jnp.maximum(deg, 1.0)
    h = (agg_ref[0] + agg_ref[1]) * invd + b1_ref[...] + r1_ref[...]
    o_ref[...] = _prelu(h, a1_ref[...])


def _tc_fin(agg, deg, r1, b1, a1):
    return pl.pallas_call(
        _fin_body,
        grid=(_GRID,),
        in_specs=[pl.BlockSpec((NC, _BLK, D), lambda i: (0, i, 0)),
                  pl.BlockSpec((NC, _BLK, 1), lambda i: (0, i, 0)),
                  pl.BlockSpec((_BLK, D), lambda i: (i, 0)),
                  pl.BlockSpec((1, D), lambda i: (0, 0)),
                  pl.BlockSpec((1, D), lambda i: (0, 0))],
        out_specs=pl.BlockSpec((_BLK, D), lambda i: (i, 0)),
        out_shape=jax.ShapeDtypeStruct((N, D), jnp.float32),
    )(agg, deg, r1, b1, a1)


def kernel(x, edge_index, edge_weight, W0l, b0l, W0r, W1l, b1l, W1r,
           Wskip, a0, a1):
    del edge_weight
    src = edge_index[0].astype(jnp.int32)
    dst = edge_index[1].astype(jnp.int32)
    packed = jax.lax.shift_left(src, 14) | dst
    pad = EPAD - E
    edges_p = jnp.concatenate(
        [packed, jnp.full((pad,), N, jnp.int32)]).reshape(NW, CPT, CHUNK)

    wa = jnp.concatenate([W0l, W0r, Wskip], axis=1)
    y0, r0, xs = _tc_lead(x, wa)

    agg0, deg = _segsum_deg(y0, edges_p)
    agg0 = agg0.reshape(NC, NPAD, D)
    degr = deg.reshape(NC, NPAD, 1)

    wc = jnp.concatenate([W1l, W1r], axis=1)
    y1, r1 = _tc_mid(agg0, degr, r0, xs, b0l.reshape(1, D),
                     a0.reshape(1, D), wc)

    agg1, _ = _segsum(y1, edges_p)
    agg1 = agg1.reshape(NC, NPAD, D)

    return _tc_fin(agg1, degr, r1, b1l.reshape(1, D), a1.reshape(1, D))

# --- scband reference (transcript-rebuilt; emitter-appended) ---
"""Pipeline reference for scband-sage-encoder-7627861917895 (READ-ONLY COPY).

The authoritative reference and input builder live on the scoring server;
editing this copy changes nothing except your own understanding.
"""

import jax, jax.numpy as jnp
import numpy as np

N = 10000
E = 320000
D_IN = 128
D_HID = 128
D_EMB = 128


def _lin_init(key, fan_in, fan_out, with_bias):
    s = 1.0 / np.sqrt(fan_in)
    kw, kb = jax.random.split(key)
    W = jax.random.uniform(kw, (fan_in, fan_out), minval=-s, maxval=s, dtype=jnp.float32)
    if with_bias:
        b = jax.random.uniform(kb, (fan_out,), minval=-s, maxval=s, dtype=jnp.float32)
        return W, b
    return W


def setup_inputs(seed: int = 0) -> dict:
    key = jax.random.key(seed)
    ks = jax.random.split(key, 10)
    x = jax.random.normal(ks[0], (N, D_IN), dtype=jnp.float32)
    edge_index = jax.random.randint(ks[1], (2, E), 0, N)
    edge_weight = jax.random.uniform(ks[2], (E,), dtype=jnp.float32)
    # SAGEConv 0: input_size -> hidden_size (lin_l has bias, lin_r root weight no bias)
    W0l, b0l = _lin_init(ks[3], D_IN, D_HID, True)
    W0r = _lin_init(ks[4], D_IN, D_HID, False)
    # SAGEConv 1: hidden_size -> embedding_size
    W1l, b1l = _lin_init(ks[5], D_HID, D_EMB, True)
    W1r = _lin_init(ks[6], D_HID, D_EMB, False)
    # skip linear: input_size -> hidden_size, bias=False
    Wskip = _lin_init(ks[7], D_IN, D_HID, False)
    # PReLU per-channel weights, init 0.25
    a0 = jnp.full((D_HID,), 0.25, dtype=jnp.float32)
    a1 = jnp.full((D_EMB,), 0.25, dtype=jnp.float32)
    return {"x": x, "edge_index": edge_index, "edge_weight": edge_weight,
            "W0l": W0l, "b0l": b0l, "W0r": W0r,
            "W1l": W1l, "b1l": b1l, "W1r": W1r,
            "Wskip": Wskip, "a0": a0, "a1": a1}


def _sage_conv(h, src, dst, Wl, bl, Wr):
    # mean aggregation of source-node messages at destination nodes
    agg = jax.ops.segment_sum(h[src], dst, num_segments=N)
    deg = jax.ops.segment_sum(jnp.ones((src.shape[0],), dtype=h.dtype), dst, num_segments=N)
    mean = agg / jnp.maximum(deg, 1.0)[:, None]
    return mean @ Wl + bl + h @ Wr


def _prelu(v, a):
    return jnp.where(v >= 0, v, a * v)


def reference(x, edge_index, edge_weight, W0l, b0l, W0r, W1l, b1l, W1r, Wskip, a0, a1):
    # edge_weight is accepted by the torch forward but unused (SAGEConv called without it)
    src = edge_index[0]
    dst = edge_index[1]
    h = _sage_conv(x, src, dst, W0l, b0l, W0r)
    h = _prelu(h, a0)
    hl_sum = _prelu(h, a0)  # torch code applies activation again when storing in h_l
    x_skip = x @ Wskip
    h = _sage_conv(hl_sum + x_skip, src, dst, W1l, b1l, W1r)
    h = _prelu(h, a1)
    return h

if __name__ == "__main__":
    import jax
    _d = setup_inputs()
    print(jax.jit(kernel)(*tuple(_d.values())))

</pallas_src>

<mosaic_0001>
#map = affine_map<(d0, d1) -> (0, 0)>
#map1 = affine_map<(d0, d1) -> (0, 0, 0)>
#map2 = affine_map<(d0, d1) -> (0)>
module attributes {stable_mosaic.version = 14 : i64} {
  func.func @body(%arg0: i32, %arg1: i32, %arg2: memref<10000x128xf32, #tpu.memory_space<hbm>>, %arg3: memref<32x80x128xi32, #tpu.memory_space<hbm>>, %arg4: memref<20480x128xf32, #tpu.memory_space<hbm>>, %arg5: memref<20480xf32, #tpu.memory_space<hbm>>, %arg6: memref<80x128xi32, #tpu.memory_space<vmem>>, %arg7: memref<80x128xi32, #tpu.memory_space<vmem>>, %arg8: memref<128x128xf32, #tpu.memory_space<vmem>>, %arg9: memref<128xf32, #tpu.memory_space<vmem>>, %arg10: memref<640xf32, #tpu.memory_space<vmem>>, %arg11: memref<10240x128xf32, #tpu.memory_space<vmem_shared>>, %arg12: memref<10240xf32, #tpu.memory_space<vmem_shared>>, %arg13: memref<!tpu.dma_semaphore, #tpu.memory_space<semaphore_mem>>, %arg14: memref<!tpu.dma_semaphore, #tpu.memory_space<semaphore_mem>>) attributes {dimension_semantics = [#tpu.dimension_semantics<core_parallel>, #tpu.dimension_semantics<subcore_parallel>], iteration_bounds = array<i64: 2, 16>, scalar_prefetch = 0 : i64, scratch_operands = 9 : i64, tpu.core_type = #tpu.core_type<sc_vector_subcore>, window_params = [{transform_indices = #map}, {transform_indices = #map1}, {transform_indices = #map}, {transform_indices = #map2}]} {
    %mul3A = arith.constant 16 : i32
    %mul3A_0 = arith.muli %arg0, %mul3A : i32
    %add3A = arith.addi %mul3A_0, %arg1 : i32
    %mul3A_1 = arith.constant 640 : i32
    %mul3A_2 = arith.muli %arg1, %mul3A_1 : i32
    %scan3A = arith.constant 0 : i32
    %scan3A_3 = arith.constant 0 : i32
    %scan3A_4 = arith.constant 128 : i32
    %scan3A_5 = arith.addi %scan3A_3, %scan3A_4 : i32
    %scan3A_6 = arith.constant 1 : i32
    scf.for %scan3A_328 = %scan3A_3 to %scan3A_5 step %scan3A_6  : i32 {
      %broadcast_in_dim3A_329 = arith.constant 0.000000e+00 : f32
      %broadcast_in_dim3A_330 = vector.broadcast %broadcast_in_dim3A_329 : f32 to vector<16xf32>
      %swap3A_331 = arith.index_cast %scan3A_328 : i32 to index
      %swap3A_332 = arith.constant 0 : index
      %swap3A_333 = tpu.vector_load %arg8[%swap3A_331, %swap3A_332] {strides = array<i32>} : memref<128x128xf32, #tpu.memory_space<vmem>>, vector<1x16xf32>,
      %swap3A_334 = vector.shape_cast %swap3A_333 : vector<1x16xf32> to vector<16xf32>
      %swap3A_335 = vector.shape_cast %broadcast_in_dim3A_330 : vector<16xf32> to vector<1x16xf32>
      tpu.vector_store %arg8[%swap3A_331, %swap3A_332], %swap3A_335 {strides = array<i32>} : memref<128x128xf32, #tpu.memory_space<vmem>>, vector<1x16xf32>,
      %broadcast_in_dim3A_336 = arith.constant 0.000000e+00 : f32
      %broadcast_in_dim3A_337 = vector.broadcast %broadcast_in_dim3A_336 : f32 to vector<16xf32>
      %swap3A_338 = arith.index_cast %scan3A_328 : i32 to index
      %swap3A_339 = arith.constant 16 : index
      %swap3A_340 = tpu.vector_load %arg8[%swap3A_338, %swap3A_339] {strides = array<i32>} : memref<128x128xf32, #tpu.memory_space<vmem>>, vector<1x16xf32>,
      %swap3A_341 = vector.shape_cast %swap3A_340 : vector<1x16xf32> to vector<16xf32>
      %swap3A_342 = vector.shape_cast %broadcast_in_dim3A_337 : vector<16xf32> to vector<1x16xf32>
      tpu.vector_store %arg8[%swap3A_338, %swap3A_339], %swap3A_342 {strides = array<i32>} : memref<128x128xf32, #tpu.memory_space<vmem>>, vector<1x16xf32>,
      %broadcast_in_dim3A_343 = arith.constant 0.000000e+00 : f32
      %broadcast_in_dim3A_344 = vector.broadcast %broadcast_in_dim3A_343 : f32 to vector<16xf32>
      %swap3A_345 = arith.index_cast %scan3A_328 : i32 to index
      %swap3A_346 = arith.constant 32 : index
      %swap3A_347 = tpu.vector_load %arg8[%swap3A_345, %swap3A_346] {strides = array<i32>} : memref<128x128xf32, #tpu.memory_space<vmem>>, vector<1x16xf32>,
      %swap3A_348 = vector.shape_cast %swap3A_347 : vector<1x16xf32> to vector<16xf32>
      %swap3A_349 = vector.shape_cast %broadcast_in_dim3A_344 : vector<16xf32> to vector<1x16xf32>
      tpu.vector_store %arg8[%swap3A_345, %swap3A_346], %swap3A_349 {strides = array<i32>} : memref<128x128xf32, #tpu.memory_space<vmem>>, vector<1x16xf32>,
      %broadcast_in_dim3A_350 = arith.constant 0.000000e+00 : f32
      %broadcast_in_dim3A_351 = vector.broadcast %broadcast_in_dim3A_350 : f32 to vector<16xf32>
      %swap3A_352 = arith.index_cast %scan3A_328 : i32 to index
      %swap3A_353 = arith.constant 48 : index
      %swap3A_354 = tpu.vector_load %arg8[%swap3A_352, %swap3A_353] {strides = array<i32>} : memref<128x128xf32, #tpu.memory_space<vmem>>, vector<1x16xf32>,
      %swap3A_355 = vector.shape_cast %swap3A_354 : vector<1x16xf32> to vector<16xf32>
      %swap3A_356 = vector.shape_cast %broadcast_in_dim3A_351 : vector<16xf32> to vector<1x16xf32>
      tpu.vector_store %arg8[%swap3A_352, %swap3A_353], %swap3A_356 {strides = array<i32>} : memref<128x128xf32, #tpu.memory_space<vmem>>, vector<1x16xf32>,
      %broadcast_in_dim3A_357 = arith.constant 0.000000e+00 : f32
      %broadcast_in_dim3A_358 = vector.broadcast %broadcast_in_dim3A_357 : f32 to vector<16xf32>
      %swap3A_359 = arith.index_cast %scan3A_328 : i32 to index
      %swap3A_360 = arith.constant 64 : index
      %swap3A_361 = tpu.vector_load %arg8[%swap3A_359, %swap3A_360] {strides = array<i32>} : memref<128x128xf32, #tpu.memory_space<vmem>>, vector<1x16xf32>,
      %swap3A_362 = vector.shape_cast %swap3A_361 : vector<1x16xf32> to vector<16xf32>
      %swap3A_363 = vector.shape_cast %broadcast_in_dim3A_358 : vector<16xf32> to vector<1x16xf32>
      tpu.vector_store %arg8[%swap3A_359, %swap3A_360], %swap3A_363 {strides = array<i32>} : memref<128x128xf32, #tpu.memory_space<vmem>>, vector<1x16xf32>,
      %broadcast_in_dim3A_364 = arith.constant 0.000000e+00 : f32
      %broadcast_in_dim3A_365 = vector.broadcast %broadcast_in_dim3A_364 : f32 to vector<16xf32>
      %swap3A_366 = arith.index_cast %scan3A_328 : i32 to index
      %swap3A_367 = arith.constant 80 : index
      %swap3A_368 = tpu.vector_load %arg8[%swap3A_366, %swap3A_367] {strides = array<i32>} : memref<128x128xf32, #tpu.memory_space<vmem>>, vector<1x16xf32>,
      %swap3A_369 = vector.shape_cast %swap3A_368 : vector<1x16xf32> to vector<16xf32>
      %swap3A_370 = vector.shape_cast %broadcast_in_dim3A_365 : vector<16xf32> to vector<1x16xf32>
      tpu.vector_store %arg8[%swap3A_366, %swap3A_367], %swap3A_370 {strides = array<i32>} : memref<128x128xf32, #tpu.memory_space<vmem>>, vector<1x16xf32>,
      %broadcast_in_dim3A_371 = arith.constant 0.000000e+00 : f32
      %broadcast_in_dim3A_372 = vector.broadcast %broadcast_in_dim3A_371 : f32 to vector<16xf32>
      %swap3A_373 = arith.index_cast %scan3A_328 : i32 to index
      %swap3A_374 = arith.constant 96 : index
      %swap3A_375 = tpu.vector_load %arg8[%swap3A_373, %swap3A_374] {strides = array<i32>} : memref<128x128xf32, #tpu.memory_space<vmem>>, vector<1x16xf32>,
      %swap3A_376 = vector.shape_cast %swap3A_375 : vector<1x16xf32> to vector<16xf32>
      %swap3A_377 = vector.shape_cast %broadcast_in_dim3A_372 : vector<16xf32> to vector<1x16xf32>
      tpu.vector_store %arg8[%swap3A_373, %swap3A_374], %swap3A_377 {strides = array<i32>} : memref<128x128xf32, #tpu.memory_space<vmem>>, vector<1x16xf32>,
      %broadcast_in_dim3A_378 = arith.constant 0.000000e+00 : f32
      %broadcast_in_dim3A_379 = vector.broadcast %broadcast_in_dim3A_378 : f32 to vector<16xf32>
      %swap3A_380 = arith.index_cast %scan3A_328 : i32 to index
      %swap3A_381 = arith.constant 112 : index
      %swap3A_382 = tpu.vector_load %arg8[%swap3A_380, %swap3A_381] {strides = array<i32>} : memref<128x128xf32, #tpu.memory_space<vmem>>, vector<1x16xf32>,
      %swap3A_383 = vector.shape_cast %swap3A_382 : vector<1x16xf32> to vector<16xf32>
      %swap3A_384 = vector.shape_cast %broadcast_in_dim3A_379 : vector<16xf32> to vector<1x16xf32>
      tpu.vector_store %arg8[%swap3A_380, %swap3A_381], %swap3A_384 {strides = array<i32>} : memref<128x128xf32, #tpu.memory_space<vmem>>, vector<1x16xf32>,
    }
    %scan3A_7 = arith.constant 128 : i32
    %broadcast_in_dim3A = arith.constant 1.000000e+00 : f32
    %broadcast_in_dim3A_8 = vector.broadcast %broadcast_in_dim3A : f32 to vector<16xf32>
    %swap3A = arith.constant 0 : index
    %swap3A_9 = tpu.vector_load %arg9[%swap3A] {strides = array<i32>} : memref<128xf32, #tpu.memory_space<vmem>>, vector<16xf32>,
    %swap3A_10 = vector.shape_cast %swap3A_9 : vector<16xf32> to vector<16xf32>
    %swap3A_11 = vector.shape_cast %broadcast_in_dim3A_8 : vector<16xf32> to vector<16xf32>
    tpu.vector_store %arg9[%swap3A], %swap3A_11 {strides = array<i32>} : memref<128xf32, #tpu.memory_space<vmem>>, vector<16xf32>,
    %broadcast_in_dim3A_12 = arith.constant 1.000000e+00 : f32
    %broadcast_in_dim3A_13 = vector.broadcast %broadcast_in_dim3A_12 : f32 to vector<16xf32>
    %swap3A_14 = arith.constant 16 : index
    %swap3A_15 = tpu.vector_load %arg9[%swap3A_14] {strides = array<i32>} : memref<128xf32, #tpu.memory_space<vmem>>, vector<16xf32>,
    %swap3A_16 = vector.shape_cast %swap3A_15 : vector<16xf32> to vector<16xf32>
    %swap3A_17 = vector.shape_cast %broadcast_in_dim3A_13 : vector<16xf32> to vector<16xf32>
    tpu.vector_store %arg9[%swap3A_14], %swap3A_17 {strides = array<i32>} : memref<128xf32, #tpu.memory_space<vmem>>, vector<16xf32>,
    %broadcast_in_dim3A_18 = arith.constant 1.000000e+00 : f32
    %broadcast_in_dim3A_19 = vector.broadcast %broadcast_in_dim3A_18 : f32 to vector<16xf32>
    %swap3A_20 = arith.constant 32 : index
    %swap3A_21 = tpu.vector_load %arg9[%swap3A_20] {strides = array<i32>} : memref<128xf32, #tpu.memory_space<vmem>>, vector<16xf32>,
    %swap3A_22 = vector.shape_cast %swap3A_21 : vector<16xf32> to vector<16xf32>
    %swap3A_23 = vector.shape_cast %broadcast_in_dim3A_19 : vector<16xf32> to vector<16xf32>
    tpu.vector_store %arg9[%swap3A_20], %swap3A_23 {strides = array<i32>} : memref<128xf32, #tpu.memory_space<vmem>>, vector<16xf32>,
    %broadcast_in_dim3A_24 = arith.constant 1.000000e+00 : f32
    %broadcast_in_dim3A_25 = vector.broadcast %broadcast_in_dim3A_24 : f32 to vector<16xf32>
    %swap3A_26 = arith.constant 48 : index
    %swap3A_27 = tpu.vector_load %arg9[%swap3A_26] {strides = array<i32>} : memref<128xf32, #tpu.memory_space<vmem>>, vector<16xf32>,
    %swap3A_28 = vector.shape_cast %swap3A_27 : vector<16xf32> to vector<16xf32>
    %swap3A_29 = vector.shape_cast %broadcast_in_dim3A_25 : vector<16xf32> to vector<16xf32>
    tpu.vector_store %arg9[%swap3A_26], %swap3A_29 {strides = array<i32>} : memref<128xf32, #tpu.memory_space<vmem>>, vector<16xf32>,
    %broadcast_in_dim3A_30 = arith.constant 1.000000e+00 : f32
    %broadcast_in_dim3A_31 = vector.broadcast %broadcast_in_dim3A_30 : f32 to vector<16xf32>
    %swap3A_32 = arith.constant 64 : index
    %swap3A_33 = tpu.vector_load %arg9[%swap3A_32] {strides = array<i32>} : memref<128xf32, #tpu.memory_space<vmem>>, vector<16xf32>,
    %swap3A_34 = vector.shape_cast %swap3A_33 : vector<16xf32> to vector<16xf32>
    %swap3A_35 = vector.shape_cast %broadcast_in_dim3A_31 : vector<16xf32> to vector<16xf32>
    tpu.vector_store %arg9[%swap3A_32], %swap3A_35 {strides = array<i32>} : memref<128xf32, #tpu.memory_space<vmem>>, vector<16xf32>,
    %broadcast_in_dim3A_36 = arith.constant 1.000000e+00 : f32
    %broadcast_in_dim3A_37 = vector.broadcast %broadcast_in_dim3A_36 : f32 to vector<16xf32>
    %swap3A_38 = arith.constant 80 : index
    %swap3A_39 = tpu.vector_load %arg9[%swap3A_38] {strides = array<i32>} : memref<128xf32, #tpu.memory_space<vmem>>, vector<16xf32>,
    %swap3A_40 = vector.shape_cast %swap3A_39 : vector<16xf32> to vector<16xf32>
    %swap3A_41 = vector.shape_cast %broadcast_in_dim3A_37 : vector<16xf32> to vector<16xf32>
    tpu.vector_store %arg9[%swap3A_38], %swap3A_41 {strides = array<i32>} : memref<128xf32, #tpu.memory_space<vmem>>, vector<16xf32>,
    %broadcast_in_dim3A_42 = arith.constant 1.000000e+00 : f32
    %broadcast_in_dim3A_43 = vector.broadcast %broadcast_in_dim3A_42 : f32 to vector<16xf32>
    %swap3A_44 = arith.constant 96 : index
    %swap3A_45 = tpu.vector_load %arg9[%swap3A_44] {strides = array<i32>} : memref<128xf32, #tpu.memory_space<vmem>>, vector<16xf32>,
    %swap3A_46 = vector.shape_cast %swap3A_45 : vector<16xf32> to vector<16xf32>
    %swap3A_47 = vector.shape_cast %broadcast_in_dim3A_43 : vector<16xf32> to vector<16xf32>
    tpu.vector_store %arg9[%swap3A_44], %swap3A_47 {strides = array<i32>} : memref<128xf32, #tpu.memory_space<vmem>>, vector<16xf32>,
    %broadcast_in_dim3A_48 = arith.constant 1.000000e+00 : f32
    %broadcast_in_dim3A_49 = vector.broadcast %broadcast_in_dim3A_48 : f32 to vector<16xf32>
    %swap3A_50 = arith.constant 112 : index
    %swap3A_51 = tpu.vector_load %arg9[%swap3A_50] {strides = array<i32>} : memref<128xf32, #tpu.memory_space<vmem>>, vector<16xf32>,
    %swap3A_52 = vector.shape_cast %swap3A_51 : vector<16xf32> to vector<16xf32>
    %swap3A_53 = vector.shape_cast %broadcast_in_dim3A_49 : vector<16xf32> to vector<16xf32>
    tpu.vector_store %arg9[%swap3A_50], %swap3A_53 {strides = array<i32>} : memref<128xf32, #tpu.memory_space<vmem>>, vector<16xf32>,
    %broadcast_in_dim3A_54 = arith.constant 0.000000e+00 : f32
    %broadcast_in_dim3A_55 = vector.broadcast %broadcast_in_dim3A_54 : f32 to vector<16xf32>
    %swap3A_56 = arith.constant 0 : index
    %swap3A_57 = tpu.vector_load %arg10[%swap3A_56] {strides = array<i32>} : memref<640xf32, #tpu.memory_space<vmem>>, vector<16xf32>,
    %swap3A_58 = vector.shape_cast %swap3A_57 : vector<16xf32> to vector<16xf32>
    %swap3A_59 = vector.shape_cast %broadcast_in_dim3A_55 : vector<16xf32> to vector<16xf32>
    tpu.vector_store %arg10[%swap3A_56], %swap3A_59 {strides = array<i32>} : memref<640xf32, #tpu.memory_space<vmem>>, vector<16xf32>,
    %broadcast_in_dim3A_60 = arith.constant 0.000000e+00 : f32
    %broadcast_in_dim3A_61 = vector.broadcast %broadcast_in_dim3A_60 : f32 to vector<16xf32>
    %swap3A_62 = arith.constant 16 : index
    %swap3A_63 = tpu.vector_load %arg10[%swap3A_62] {strides = array<i32>} : memref<640xf32, #tpu.memory_space<vmem>>, vector<16xf32>,
    %swap3A_64 = vector.shape_cast %swap3A_63 : vector<16xf32> to vector<16xf32>
    %swap3A_65 = vector.shape_cast %broadcast_in_dim3A_61 : vector<16xf32> to vector<16xf32>
    tpu.vector_store %arg10[%swap3A_62], %swap3A_65 {strides = array<i32>} : memref<640xf32, #tpu.memory_space<vmem>>, vector<16xf32>,
    %broadcast_in_dim3A_66 = arith.constant 0.000000e+00 : f32
    %broadcast_in_dim3A_67 = vector.broadcast %broadcast_in_dim3A_66 : f32 to vector<16xf32>
    %swap3A_68 = arith.constant 32 : index
    %swap3A_69 = tpu.vector_load %arg10[%swap3A_68] {strides = array<i32>} : memref<640xf32, #tpu.memory_space<vmem>>, vector<16xf32>,
    %swap3A_70 = vector.shape_cast %swap3A_69 : vector<16xf32> to vector<16xf32>
    %swap3A_71 = vector.shape_cast %broadcast_in_dim3A_67 : vector<16xf32> to vector<16xf32>
    tpu.vector_store %arg10[%swap3A_68], %swap3A_71 {strides = array<i32>} : memref<640xf32, #tpu.memory_space<vmem>>, vector<16xf32>,
    %broadcast_in_dim3A_72 = arith.constant 0.000000e+00 : f32
    %broadcast_in_dim3A_73 = vector.broadcast %broadcast_in_dim3A_72 : f32 to vector<16xf32>
    %swap3A_74 = arith.constant 48 : index
    %swap3A_75 = tpu.vector_load %arg10[%swap3A_74] {strides = array<i32>} : memref<640xf32, #tpu.memory_space<vmem>>, vector<16xf32>,
    %swap3A_76 = vector.shape_cast %swap3A_75 : vector<16xf32> to vector<16xf32>
    %swap3A_77 = vector.shape_cast %broadcast_in_dim3A_73 : vector<16xf32> to vector<16xf32>
    tpu.vector_store %arg10[%swap3A_74], %swap3A_77 {strides = array<i32>} : memref<640xf32, #tpu.memory_space<vmem>>, vector<16xf32>,
    %broadcast_in_dim3A_78 = arith.constant 0.000000e+00 : f32
    %broadcast_in_dim3A_79 = vector.broadcast %broadcast_in_dim3A_78 : f32 to vector<16xf32>
    %swap3A_80 = arith.constant 64 : index
    %swap3A_81 = tpu.vector_load %arg10[%swap3A_80] {strides = array<i32>} : memref<640xf32, #tpu.memory_space<vmem>>, vector<16xf32>,
    %swap3A_82 = vector.shape_cast %swap3A_81 : vector<16xf32> to vector<16xf32>
    %swap3A_83 = vector.shape_cast %broadcast_in_dim3A_79 : vector<16xf32> to vector<16xf32>
    tpu.vector_store %arg10[%swap3A_80], %swap3A_83 {strides = array<i32>} : memref<640xf32, #tpu.memory_space<vmem>>, vector<16xf32>,
    %broadcast_in_dim3A_84 = arith.constant 0.000000e+00 : f32
    %broadcast_in_dim3A_85 = vector.broadcast %broadcast_in_dim3A_84 : f32 to vector<16xf32>
    %swap3A_86 = arith.constant 80 : index
    %swap3A_87 = tpu.vector_load %arg10[%swap3A_86] {strides = array<i32>} : memref<640xf32, #tpu.memory_space<vmem>>, vector<16xf32>,
    %swap3A_88 = vector.shape_cast %swap3A_87 : vector<16xf32> to vector<16xf32>
    %swap3A_89 = vector.shape_cast %broadcast_in_dim3A_85 : vector<16xf32> to vector<16xf32>
    tpu.vector_store %arg10[%swap3A_86], %swap3A_89 {strides = array<i32>} : memref<640xf32, #tpu.memory_space<vmem>>, vector<16xf32>,
    %broadcast_in_dim3A_90 = arith.constant 0.000000e+00 : f32
    %broadcast_in_dim3A_91 = vector.broadcast %broadcast_in_dim3A_90 : f32 to vector<16xf32>
    %swap3A_92 = arith.constant 96 : index
    %swap3A_93 = tpu.vector_load %arg10[%swap3A_92] {strides = array<i32>} : memref<640xf32, #tpu.memory_space<vmem>>, vector<16xf32>,
    %swap3A_94 = vector.shape_cast %swap3A_93 : vector<16xf32> to vector<16xf32>
    %swap3A_95 = vector.shape_cast %broadcast_in_dim3A_91 : vector<16xf32> to vector<16xf32>
    tpu.vector_store %arg10[%swap3A_92], %swap3A_95 {strides = array<i32>} : memref<640xf32, #tpu.memory_space<vmem>>, vector<16xf32>,
    %broadcast_in_dim3A_96 = arith.constant 0.000000e+00 : f32
    %broadcast_in_dim3A_97 = vector.broadcast %broadcast_in_dim3A_96 : f32 to vector<16xf32>
    %swap3A_98 = arith.constant 112 : index
    %swap3A_99 = tpu.vector_load %arg10[%swap3A_98] {strides = array<i32>} : memref<640xf32, #tpu.memory_space<vmem>>, vector<16xf32>,
    %swap3A_100 = vector.shape_cast %swap3A_99 : vector<16xf32> to vector<16xf32>
    %swap3A_101 = vector.shape_cast %broadcast_in_dim3A_97 : vector<16xf32> to vector<16xf32>
    tpu.vector_store %arg10[%swap3A_98], %swap3A_101 {strides = array<i32>} : memref<640xf32, #tpu.memory_space<vmem>>, vector<16xf32>,
    %broadcast_in_dim3A_102 = arith.constant 0.000000e+00 : f32
    %broadcast_in_dim3A_103 = vector.broadcast %broadcast_in_dim3A_102 : f32 to vector<16xf32>
    %swap3A_104 = arith.constant 128 : index
    %swap3A_105 = tpu.vector_load %arg10[%swap3A_104] {strides = array<i32>} : memref<640xf32, #tpu.memory_space<vmem>>, vector<16xf32>,
    %swap3A_106 = vector.shape_cast %swap3A_105 : vector<16xf32> to vector<16xf32>
    %swap3A_107 = vector.shape_cast %broadcast_in_dim3A_103 : vector<16xf32> to vector<16xf32>
    tpu.vector_store %arg10[%swap3A_104], %swap3A_107 {strides = array<i32>} : memref<640xf32, #tpu.memory_space<vmem>>, vector<16xf32>,
    %broadcast_in_dim3A_108 = arith.constant 0.000000e+00 : f32
    %broadcast_in_dim3A_109 = vector.broadcast %broadcast_in_dim3A_108 : f32 to vector<16xf32>
    %swap3A_110 = arith.constant 144 : index
    %swap3A_111 = tpu.vector_load %arg10[%swap3A_110] {strides = array<i32>} : memref<640xf32, #tpu.memory_space<vmem>>, vector<16xf32>,
    %swap3A_112 = vector.shape_cast %swap3A_111 : vector<16xf32> to vector<16xf32>
    %swap3A_113 = vector.shape_cast %broadcast_in_dim3A_109 : vector<16xf32> to vector<16xf32>
    tpu.vector_store %arg10[%swap3A_110], %swap3A_113 {strides = array<i32>} : memref<640xf32, #tpu.memory_space<vmem>>, vector<16xf32>,
    %broadcast_in_dim3A_114 = arith.constant 0.000000e+00 : f32
    %broadcast_in_dim3A_115 = vector.broadcast %broadcast_in_dim3A_114 : f32 to vector<16xf32>
    %swap3A_116 = arith.constant 160 : index
    %swap3A_117 = tpu.vector_load %arg10[%swap3A_116] {strides = array<i32>} : memref<640xf32, #tpu.memory_space<vmem>>, vector<16xf32>,
    %swap3A_118 = vector.shape_cast %swap3A_117 : vector<16xf32> to vector<16xf32>
    %swap3A_119 = vector.shape_cast %broadcast_in_dim3A_115 : vector<16xf32> to vector<16xf32>
    tpu.vector_store %arg10[%swap3A_116], %swap3A_119 {strides = array<i32>} : memref<640xf32, #tpu.memory_space<vmem>>, vector<16xf32>,
    %broadcast_in_dim3A_120 = arith.constant 0.000000e+00 : f32
    %broadcast_in_dim3A_121 = vector.broadcast %broadcast_in_dim3A_120 : f32 to vector<16xf32>
    %swap3A_122 = arith.constant 176 : index
    %swap3A_123 = tpu.vector_load %arg10[%swap3A_122] {strides = array<i32>} : memref<640xf32, #tpu.memory_space<vmem>>, vector<16xf32>,
    %swap3A_124 = vector.shape_cast %swap3A_123 : vector<16xf32> to vector<16xf32>
    %swap3A_125 = vector.shape_cast %broadcast_in_dim3A_121 : vector<16xf32> to vector<16xf32>
    tpu.vector_store %arg10[%swap3A_122], %swap3A_125 {strides = array<i32>} : memref<640xf32, #tpu.memory_space<vmem>>, vector<16xf32>,
    %broadcast_in_dim3A_126 = arith.constant 0.000000e+00 : f32
    %broadcast_in_dim3A_127 = vector.broadcast %broadcast_in_dim3A_126 : f32 to vector<16xf32>
    %swap3A_128 = arith.constant 192 : index
    %swap3A_129 = tpu.vector_load %arg10[%swap3A_128] {strides = array<i32>} : memref<640xf32, #tpu.memory_space<vmem>>, vector<16xf32>,
    %swap3A_130 = vector.shape_cast %swap3A_129 : vector<16xf32> to vector<16xf32>
    %swap3A_131 = vector.shape_cast %broadcast_in_dim3A_127 : vector<16xf32> to vector<16xf32>
    tpu.vector_store %arg10[%swap3A_128], %swap3A_131 {strides = array<i32>} : memref<640xf32, #tpu.memory_space<vmem>>, vector<16xf32>,
    %broadcast_in_dim3A_132 = arith.constant 0.000000e+00 : f32
    %broadcast_in_dim3A_133 = vector.broadcast %broadcast_in_dim3A_132 : f32 to vector<16xf32>
    %swap3A_134 = arith.constant 208 : index
    %swap3A_135 = tpu.vector_load %arg10[%swap3A_134] {strides = array<i32>} : memref<640xf32, #tpu.memory_space<vmem>>, vector<16xf32>,
    %swap3A_136 = vector.shape_cast %swap3A_135 : vector<16xf32> to vector<16xf32>
    %swap3A_137 = vector.shape_cast %broadcast_in_dim3A_133 : vector<16xf32> to vector<16xf32>
    tpu.vector_store %arg10[%swap3A_134], %swap3A_137 {strides = array<i32>} : memref<640xf32, #tpu.memory_space<vmem>>, vector<16xf32>,
    %broadcast_in_dim3A_138 = arith.constant 0.000000e+00 : f32
    %broadcast_in_dim3A_139 = vector.broadcast %broadcast_in_dim3A_138 : f32 to vector<16xf32>
    %swap3A_140 = arith.constant 224 : index
    %swap3A_141 = tpu.vector_load %arg10[%swap3A_140] {strides = array<i32>} : memref<640xf32, #tpu.memory_space<vmem>>, vector<16xf32>,
    %swap3A_142 = vector.shape_cast %swap3A_141 : vector<16xf32> to vector<16xf32>
    %swap3A_143 = vector.shape_cast %broadcast_in_dim3A_139 : vector<16xf32> to vector<16xf32>
    tpu.vector_store %arg10[%swap3A_140], %swap3A_143 {strides = array<i32>} : memref<640xf32, #tpu.memory_space<vmem>>, vector<16xf32>,
    %broadcast_in_dim3A_144 = arith.constant 0.000000e+00 : f32
    %broadcast_in_dim3A_145 = vector.broadcast %broadcast_in_dim3A_144 : f32 to vector<16xf32>
    %swap3A_146 = arith.constant 240 : index
    %swap3A_147 = tpu.vector_load %arg10[%swap3A_146] {strides = array<i32>} : memref<640xf32, #tpu.memory_space<vmem>>, vector<16xf32>,
    %swap3A_148 = vector.shape_cast %swap3A_147 : vector<16xf32> to vector<16xf32>
    %swap3A_149 = vector.shape_cast %broadcast_in_dim3A_145 : vector<16xf32> to vector<16xf32>
    tpu.vector_store %arg10[%swap3A_146], %swap3A_149 {strides = array<i32>} : memref<640xf32, #tpu.memory_space<vmem>>, vector<16xf32>,
    %broadcast_in_dim3A_150 = arith.constant 0.000000e+00 : f32
    %broadcast_in_dim3A_151 = vector.broadcast %broadcast_in_dim3A_150 : f32 to vector<16xf32>
    %swap3A_152 = arith.constant 256 : index
    %swap3A_153 = tpu.vector_load %arg10[%swap3A_152] {strides = array<i32>} : memref<640xf32, #tpu.memory_space<vmem>>, vector<16xf32>,
    %swap3A_154 = vector.shape_cast %swap3A_153 : vector<16xf32> to vector<16xf32>
    %swap3A_155 = vector.shape_cast %broadcast_in_dim3A_151 : vector<16xf32> to vector<16xf32>
    tpu.vector_store %arg10[%swap3A_152], %swap3A_155 {strides = array<i32>} : memref<640xf32, #tpu.memory_space<vmem>>, vector<16xf32>,
    %broadcast_in_dim3A_156 = arith.constant 0.000000e+00 : f32
    %broadcast_in_dim3A_157 = vector.broadcast %broadcast_in_dim3A_156 : f32 to vector<16xf32>
    %swap3A_158 = arith.constant 272 : index
    %swap3A_159 = tpu.vector_load %arg10[%swap3A_158] {strides = array<i32>} : memref<640xf32, #tpu.memory_space<vmem>>, vector<16xf32>,
    %swap3A_160 = vector.shape_cast %swap3A_159 : vector<16xf32> to vector<16xf32>
    %swap3A_161 = vector.shape_cast %broadcast_in_dim3A_157 : vector<16xf32> to vector<16xf32>
    tpu.vector_store %arg10[%swap3A_158], %swap3A_161 {strides = array<i32>} : memref<640xf32, #tpu.memory_space<vmem>>, vector<16xf32>,
    %broadcast_in_dim3A_162 = arith.constant 0.000000e+00 : f32
    %broadcast_in_dim3A_163 = vector.broadcast %broadcast_in_dim3A_162 : f32 to vector<16xf32>
    %swap3A_164 = arith.constant 288 : index
    %swap3A_165 = tpu.vector_load %arg10[%swap3A_164] {strides = array<i32>} : memref<640xf32, #tpu.memory_space<vmem>>, vector<16xf32>,
    %swap3A_166 = vector.shape_cast %swap3A_165 : vector<16xf32> to vector<16xf32>
    %swap3A_167 = vector.shape_cast %broadcast_in_dim3A_163 : vector<16xf32> to vector<16xf32>
    tpu.vector_store %arg10[%swap3A_164], %swap3A_167 {strides = array<i32>} : memref<640xf32, #tpu.memory_space<vmem>>, vector<16xf32>,
    %broadcast_in_dim3A_168 = arith.constant 0.000000e+00 : f32
    %broadcast_in_dim3A_169 = vector.broadcast %broadcast_in_dim3A_168 : f32 to vector<16xf32>
    %swap3A_170 = arith.constant 304 : index
    %swap3A_171 = tpu.vector_load %arg10[%swap3A_170] {strides = array<i32>} : memref<640xf32, #tpu.memory_space<vmem>>, vector<16xf32>,
    %swap3A_172 = vector.shape_cast %swap3A_171 : vector<16xf32> to vector<16xf32>
    %swap3A_173 = vector.shape_cast %broadcast_in_dim3A_169 : vector<16xf32> to vector<16xf32>
    tpu.vector_store %arg10[%swap3A_170], %swap3A_173 {strides = array<i32>} : memref<640xf32, #tpu.memory_space<vmem>>, vector<16xf32>,
    %broadcast_in_dim3A_174 = arith.constant 0.000000e+00 : f32
    %broadcast_in_dim3A_175 = vector.broadcast %broadcast_in_dim3A_174 : f32 to vector<16xf32>
    %swap3A_176 = arith.constant 320 : index
    %swap3A_177 = tpu.vector_load %arg10[%swap3A_176] {strides = array<i32>} : memref<640xf32, #tpu.memory_space<vmem>>, vector<16xf32>,
    %swap3A_178 = vector.shape_cast %swap3A_177 : vector<16xf32> to vector<16xf32>
    %swap3A_179 = vector.shape_cast %broadcast_in_dim3A_175 : vector<16xf32> to vector<16xf32>
    tpu.vector_store %arg10[%swap3A_176], %swap3A_179 {strides = array<i32>} : memref<640xf32, #tpu.memory_space<vmem>>, vector<16xf32>,
    %broadcast_in_dim3A_180 = arith.constant 0.000000e+00 : f32
    %broadcast_in_dim3A_181 = vector.broadcast %broadcast_in_dim3A_180 : f32 to vector<16xf32>
    %swap3A_182 = arith.constant 336 : index
    %swap3A_183 = tpu.vector_load %arg10[%swap3A_182] {strides = array<i32>} : memref<640xf32, #tpu.memory_space<vmem>>, vector<16xf32>,
    %swap3A_184 = vector.shape_cast %swap3A_183 : vector<16xf32> to vector<16xf32>
    %swap3A_185 = vector.shape_cast %broadcast_in_dim3A_181 : vector<16xf32> to vector<16xf32>
    tpu.vector_store %arg10[%swap3A_182], %swap3A_185 {strides = array<i32>} : memref<640xf32, #tpu.memory_space<vmem>>, vector<16xf32>,
    %broadcast_in_dim3A_186 = arith.constant 0.000000e+00 : f32
    %broadcast_in_dim3A_187 = vector.broadcast %broadcast_in_dim3A_186 : f32 to vector<16xf32>
    %swap3A_188 = arith.constant 352 : index
    %swap3A_189 = tpu.vector_load %arg10[%swap3A_188] {strides = array<i32>} : memref<640xf32, #tpu.memory_space<vmem>>, vector<16xf32>,
    %swap3A_190 = vector.shape_cast %swap3A_189 : vector<16xf32> to vector<16xf32>
    %swap3A_191 = vector.shape_cast %broadcast_in_dim3A_187 : vector<16xf32> to vector<16xf32>
    tpu.vector_store %arg10[%swap3A_188], %swap3A_191 {strides = array<i32>} : memref<640xf32, #tpu.memory_space<vmem>>, vector<16xf32>,
    %broadcast_in_dim3A_192 = arith.constant 0.000000e+00 : f32
    %broadcast_in_dim3A_193 = vector.broadcast %broadcast_in_dim3A_192 : f32 to vector<16xf32>
    %swap3A_194 = arith.constant 368 : index
    %swap3A_195 = tpu.vector_load %arg10[%swap3A_194] {strides = array<i32>} : memref<640xf32, #tpu.memory_space<vmem>>, vector<16xf32>,
    %swap3A_196 = vector.shape_cast %swap3A_195 : vector<16xf32> to vector<16xf32>
    %swap3A_197 = vector.shape_cast %broadcast_in_dim3A_193 : vector<16xf32> to vector<16xf32>
    tpu.vector_store %arg10[%swap3A_194], %swap3A_197 {strides = array<i32>} : memref<640xf32, #tpu.memory_space<vmem>>, vector<16xf32>,
    %broadcast_in_dim3A_198 = arith.constant 0.000000e+00 : f32
    %broadcast_in_dim3A_199 = vector.broadcast %broadcast_in_dim3A_198 : f32 to vector<16xf32>
    %swap3A_200 = arith.constant 384 : index
    %swap3A_201 = tpu.vector_load %arg10[%swap3A_200] {strides = array<i32>} : memref<640xf32, #tpu.memory_space<vmem>>, vector<16xf32>,
    %swap3A_202 = vector.shape_cast %swap3A_201 : vector<16xf32> to vector<16xf32>
    %swap3A_203 = vector.shape_cast %broadcast_in_dim3A_199 : vector<16xf32> to vector<16xf32>
    tpu.vector_store %arg10[%swap3A_200], %swap3A_203 {strides = array<i32>} : memref<640xf32, #tpu.memory_space<vmem>>, vector<16xf32>,
    %broadcast_in_dim3A_204 = arith.constant 0.000000e+00 : f32
    %broadcast_in_dim3A_205 = vector.broadcast %broadcast_in_dim3A_204 : f32 to vector<16xf32>
    %swap3A_206 = arith.constant 400 : index
    %swap3A_207 = tpu.vector_load %arg10[%swap3A_206] {strides = array<i32>} : memref<640xf32, #tpu.memory_space<vmem>>, vector<16xf32>,
    %swap3A_208 = vector.shape_cast %swap3A_207 : vector<16xf32> to vector<16xf32>
    %swap3A_209 = vector.shape_cast %broadcast_in_dim3A_205 : vector<16xf32> to vector<16xf32>
    tpu.vector_store %arg10[%swap3A_206], %swap3A_209 {strides = array<i32>} : memref<640xf32, #tpu.memory_space<vmem>>, vector<16xf32>,
    %broadcast_in_dim3A_210 = arith.constant 0.000000e+00 : f32
    %broadcast_in_dim3A_211 = vector.broadcast %broadcast_in_dim3A_210 : f32 to vector<16xf32>
    %swap3A_212 = arith.constant 416 : index
    %swap3A_213 = tpu.vector_load %arg10[%swap3A_212] {strides = array<i32>} : memref<640xf32, #tpu.memory_space<vmem>>, vector<16xf32>,
    %swap3A_214 = vector.shape_cast %swap3A_213 : vector<16xf32> to vector<16xf32>
    %swap3A_215 = vector.shape_cast %broadcast_in_dim3A_211 : vector<16xf32> to vector<16xf32>
    tpu.vector_store %arg10[%swap3A_212], %swap3A_215 {strides = array<i32>} : memref<640xf32, #tpu.memory_space<vmem>>, vector<16xf32>,
    %broadcast_in_dim3A_216 = arith.constant 0.000000e+00 : f32
    %broadcast_in_dim3A_217 = vector.broadcast %broadcast_in_dim3A_216 : f32 to vector<16xf32>
    %swap3A_218 = arith.constant 432 : index
    %swap3A_219 = tpu.vector_load %arg10[%swap3A_218] {strides = array<i32>} : memref<640xf32, #tpu.memory_space<vmem>>, vector<16xf32>,
    %swap3A_220 = vector.shape_cast %swap3A_219 : vector<16xf32> to vector<16xf32>
    %swap3A_221 = vector.shape_cast %broadcast_in_dim3A_217 : vector<16xf32> to vector<16xf32>
    tpu.vector_store %arg10[%swap3A_218], %swap3A_221 {strides = array<i32>} : memref<640xf32, #tpu.memory_space<vmem>>, vector<16xf32>,
    %broadcast_in_dim3A_222 = arith.constant 0.000000e+00 : f32
    %broadcast_in_dim3A_223 = vector.broadcast %broadcast_in_dim3A_222 : f32 to vector<16xf32>
    %swap3A_224 = arith.constant 448 : index
    %swap3A_225 = tpu.vector_load %arg10[%swap3A_224] {strides = array<i32>} : memref<640xf32, #tpu.memory_space<vmem>>, vector<16xf32>,
    %swap3A_226 = vector.shape_cast %swap3A_225 : vector<16xf32> to vector<16xf32>
    %swap3A_227 = vector.shape_cast %broadcast_in_dim3A_223 : vector<16xf32> to vector<16xf32>
    tpu.vector_store %arg10[%swap3A_224], %swap3A_227 {strides = array<i32>} : memref<640xf32, #tpu.memory_space<vmem>>, vector<16xf32>,
    %broadcast_in_dim3A_228 = arith.constant 0.000000e+00 : f32
    %broadcast_in_dim3A_229 = vector.broadcast %broadcast_in_dim3A_228 : f32 to vector<16xf32>
    %swap3A_230 = arith.constant 464 : index
    %swap3A_231 = tpu.vector_load %arg10[%swap3A_230] {strides = array<i32>} : memref<640xf32, #tpu.memory_space<vmem>>, vector<16xf32>,
    %swap3A_232 = vector.shape_cast %swap3A_231 : vector<16xf32> to vector<16xf32>
    %swap3A_233 = vector.shape_cast %broadcast_in_dim3A_229 : vector<16xf32> to vector<16xf32>
    tpu.vector_store %arg10[%swap3A_230], %swap3A_233 {strides = array<i32>} : memref<640xf32, #tpu.memory_space<vmem>>, vector<16xf32>,
    %broadcast_in_dim3A_234 = arith.constant 0.000000e+00 : f32
    %broadcast_in_dim3A_235 = vector.broadcast %broadcast_in_dim3A_234 : f32 to vector<16xf32>
    %swap3A_236 = arith.constant 480 : index
    %swap3A_237 = tpu.vector_load %arg10[%swap3A_236] {strides = array<i32>} : memref<640xf32, #tpu.memory_space<vmem>>, vector<16xf32>,
    %swap3A_238 = vector.shape_cast %swap3A_237 : vector<16xf32> to vector<16xf32>
    %swap3A_239 = vector.shape_cast %broadcast_in_dim3A_235 : vector<16xf32> to vector<16xf32>
    tpu.vector_store %arg10[%swap3A_236], %swap3A_239 {strides = array<i32>} : memref<640xf32, #tpu.memory_space<vmem>>, vector<16xf32>,
    %broadcast_in_dim3A_240 = arith.constant 0.000000e+00 : f32
    %broadcast_in_dim3A_241 = vector.broadcast %broadcast_in_dim3A_240 : f32 to vector<16xf32>
    %swap3A_242 = arith.constant 496 : index
    %swap3A_243 = tpu.vector_load %arg10[%swap3A_242] {strides = array<i32>} : memref<640xf32, #tpu.memory_space<vmem>>, vector<16xf32>,
    %swap3A_244 = vector.shape_cast %swap3A_243 : vector<16xf32> to vector<16xf32>
    %swap3A_245 = vector.shape_cast %broadcast_in_dim3A_241 : vector<16xf32> to vector<16xf32>
    tpu.vector_store %arg10[%swap3A_242], %swap3A_245 {strides = array<i32>} : memref<640xf32, #tpu.memory_space<vmem>>, vector<16xf32>,
    %broadcast_in_dim3A_246 = arith.constant 0.000000e+00 : f32
    %broadcast_in_dim3A_247 = vector.broadcast %broadcast_in_dim3A_246 : f32 to vector<16xf32>
    %swap3A_248 = arith.constant 512 : index
    %swap3A_249 = tpu.vector_load %arg10[%swap3A_248] {strides = array<i32>} : memref<640xf32, #tpu.memory_space<vmem>>, vector<16xf32>,
    %swap3A_250 = vector.shape_cast %swap3A_249 : vector<16xf32> to vector<16xf32>
    %swap3A_251 = vector.shape_cast %broadcast_in_dim3A_247 : vector<16xf32> to vector<16xf32>
    tpu.vector_store %arg10[%swap3A_248], %swap3A_251 {strides = array<i32>} : memref<640xf32, #tpu.memory_space<vmem>>, vector<16xf32>,
    %broadcast_in_dim3A_252 = arith.constant 0.000000e+00 : f32
    %broadcast_in_dim3A_253 = vector.broadcast %broadcast_in_dim3A_252 : f32 to vector<16xf32>
    %swap3A_254 = arith.constant 528 : index
    %swap3A_255 = tpu.vector_load %arg10[%swap3A_254] {strides = array<i32>} : memref<640xf32, #tpu.memory_space<vmem>>, vector<16xf32>,
    %swap3A_256 = vector.shape_cast %swap3A_255 : vector<16xf32> to vector<16xf32>
    %swap3A_257 = vector.shape_cast %broadcast_in_dim3A_253 : vector<16xf32> to vector<16xf32>
    tpu.vector_store %arg10[%swap3A_254], %swap3A_257 {strides = array<i32>} : memref<640xf32, #tpu.memory_space<vmem>>, vector<16xf32>,
    %broadcast_in_dim3A_258 = arith.constant 0.000000e+00 : f32
    %broadcast_in_dim3A_259 = vector.broadcast %broadcast_in_dim3A_258 : f32 to vector<16xf32>
    %swap3A_260 = arith.constant 544 : index
    %swap3A_261 = tpu.vector_load %arg10[%swap3A_260] {strides = array<i32>} : memref<640xf32, #tpu.memory_space<vmem>>, vector<16xf32>,
    %swap3A_262 = vector.shape_cast %swap3A_261 : vector<16xf32> to vector<16xf32>
    %swap3A_263 = vector.shape_cast %broadcast_in_dim3A_259 : vector<16xf32> to vector<16xf32>
    tpu.vector_store %arg10[%swap3A_260], %swap3A_263 {strides = array<i32>} : memref<640xf32, #tpu.memory_space<vmem>>, vector<16xf32>,
    %broadcast_in_dim3A_264 = arith.constant 0.000000e+00 : f32
    %broadcast_in_dim3A_265 = vector.broadcast %broadcast_in_dim3A_264 : f32 to vector<16xf32>
    %swap3A_266 = arith.constant 560 : index
    %swap3A_267 = tpu.vector_load %arg10[%swap3A_266] {strides = array<i32>} : memref<640xf32, #tpu.memory_space<vmem>>, vector<16xf32>,
    %swap3A_268 = vector.shape_cast %swap3A_267 : vector<16xf32> to vector<16xf32>
    %swap3A_269 = vector.shape_cast %broadcast_in_dim3A_265 : vector<16xf32> to vector<16xf32>
    tpu.vector_store %arg10[%swap3A_266], %swap3A_269 {strides = array<i32>} : memref<640xf32, #tpu.memory_space<vmem>>, vector<16xf32>,
    %broadcast_in_dim3A_270 = arith.constant 0.000000e+00 : f32
    %broadcast_in_dim3A_271 = vector.broadcast %broadcast_in_dim3A_270 : f32 to vector<16xf32>
    %swap3A_272 = arith.constant 576 : index
    %swap3A_273 = tpu.vector_load %arg10[%swap3A_272] {strides = array<i32>} : memref<640xf32, #tpu.memory_space<vmem>>, vector<16xf32>,
    %swap3A_274 = vector.shape_cast %swap3A_273 : vector<16xf32> to vector<16xf32>
    %swap3A_275 = vector.shape_cast %broadcast_in_dim3A_271 : vector<16xf32> to vector<16xf32>
    tpu.vector_store %arg10[%swap3A_272], %swap3A_275 {strides = array<i32>} : memref<640xf32, #tpu.memory_space<vmem>>, vector<16xf32>,
    %broadcast_in_dim3A_276 = arith.constant 0.000000e+00 : f32
    %broadcast_in_dim3A_277 = vector.broadcast %broadcast_in_dim3A_276 : f32 to vector<16xf32>
    %swap3A_278 = arith.constant 592 : index
    %swap3A_279 = tpu.vector_load %arg10[%swap3A_278] {strides = array<i32>} : memref<640xf32, #tpu.memory_space<vmem>>, vector<16xf32>,
    %swap3A_280 = vector.shape_cast %swap3A_279 : vector<16xf32> to vector<16xf32>
    %swap3A_281 = vector.shape_cast %broadcast_in_dim3A_277 : vector<16xf32> to vector<16xf32>
    tpu.vector_store %arg10[%swap3A_278], %swap3A_281 {strides = array<i32>} : memref<640xf32, #tpu.memory_space<vmem>>, vector<16xf32>,
    %broadcast_in_dim3A_282 = arith.constant 0.000000e+00 : f32
    %broadcast_in_dim3A_283 = vector.broadcast %broadcast_in_dim3A_282 : f32 to vector<16xf32>
    %swap3A_284 = arith.constant 608 : index
    %swap3A_285 = tpu.vector_load %arg10[%swap3A_284] {strides = array<i32>} : memref<640xf32, #tpu.memory_space<vmem>>, vector<16xf32>,
    %swap3A_286 = vector.shape_cast %swap3A_285 : vector<16xf32> to vector<16xf32>
    %swap3A_287 = vector.shape_cast %broadcast_in_dim3A_283 : vector<16xf32> to vector<16xf32>
    tpu.vector_store %arg10[%swap3A_284], %swap3A_287 {strides = array<i32>} : memref<640xf32, #tpu.memory_space<vmem>>, vector<16xf32>,
    %broadcast_in_dim3A_288 = arith.constant 0.000000e+00 : f32
    %broadcast_in_dim3A_289 = vector.broadcast %broadcast_in_dim3A_288 : f32 to vector<16xf32>
    %swap3A_290 = arith.constant 624 : index
    %swap3A_291 = tpu.vector_load %arg10[%swap3A_290] {strides = array<i32>} : memref<640xf32, #tpu.memory_space<vmem>>, vector<16xf32>,
    %swap3A_292 = vector.shape_cast %swap3A_291 : vector<16xf32> to vector<16xf32>
    %swap3A_293 = vector.shape_cast %broadcast_in_dim3A_289 : vector<16xf32> to vector<16xf32>
    tpu.vector_store %arg10[%swap3A_290], %swap3A_293 {strides = array<i32>} : memref<640xf32, #tpu.memory_space<vmem>>, vector<16xf32>,
    %scan3A_294 = arith.constant 0 : i32
    %scan3A_295 = arith.constant 0 : i32
    %scan3A_296 = arith.constant 5 : i32
    %scan3A_297 = arith.addi %scan3A_295, %scan3A_296 : i32
    %scan3A_298 = arith.constant 1 : i32
    scf.for %scan3A_328 = %scan3A_295 to %scan3A_297 step %scan3A_298  : i32 {
      %mul3A_329 = arith.constant 128 : i32
      %mul3A_330 = arith.muli %scan3A_328, %mul3A_329 : i32
      %add3A_331 = arith.addi %mul3A_2, %mul3A_330 : i32
      "tpu.region"() ({
        %run_scoped3A = tpu.sem_alloc : memref<!tpu.dma_semaphore, #tpu.memory_space<semaphore_mem>>
        %dma_start3A = arith.constant 0 : i32
        %dma_start3A_332 = tpu.memref_slice %arg11[%add3A_331, %dma_start3A] : memref<10240x128xf32, #tpu.memory_space<vmem_shared>> -> memref<128x128xf32, #tpu.memory_space<vmem_shared>>
        %dma_start3A_333 = arith.constant 0 : i32
        %dma_start3A_334 = tpu.memref_slice %arg11[%add3A_331, %dma_start3A_333] : memref<10240x128xf32, #tpu.memory_space<vmem_shared>> -> memref<128x128xf32, #tpu.memory_space<vmem_shared>>
        tpu.enqueue_dma source(%arg8 : memref<128x128xf32, #tpu.memory_space<vmem>>) target(%dma_start3A_334 : memref<128x128xf32, #tpu.memory_space<vmem_shared>>) target_semaphore(%run_scoped3A : memref<!tpu.dma_semaphore, #tpu.memory_space<semaphore_mem>>)
        %dma_wait3A = arith.constant 0 : i32
        %dma_wait3A_335 = tpu.memref_slice %arg11[%add3A_331, %dma_wait3A] : memref<10240x128xf32, #tpu.memory_space<vmem_shared>> -> memref<128x128xf32, #tpu.memory_space<vmem_shared>>
        %dma_wait3A_336 = arith.constant 0 : i32
        %dma_wait3A_337 = tpu.memref_slice %arg11[%add3A_331, %dma_wait3A_336] : memref<10240x128xf32, #tpu.memory_space<vmem_shared>> -> memref<128x128xf32, #tpu.memory_space<vmem_shared>>
        tpu.wait_dma2 semaphore(%run_scoped3A : memref<!tpu.dma_semaphore, #tpu.memory_space<semaphore_mem>>) src(%arg8 : memref<128x128xf32, #tpu.memory_space<vmem>>) dst(%dma_wait3A_337 : memref<128x128xf32, #tpu.memory_space<vmem_shared>>)
        tpu.yield
      }) : () -> ()
    }
    %scan3A_299 = arith.constant 5 : i32
    "tpu.region"() ({
      %run_scoped3A = tpu.sem_alloc : memref<!tpu.dma_semaphore, #tpu.memory_space<semaphore_mem>>
      %dma_start3A = tpu.memref_slice %arg12[%mul3A_2] : memref<10240xf32, #tpu.memory_space<vmem_shared>> -> memref<640xf32, #tpu.memory_space<vmem_shared>>
      %dma_start3A_328 = tpu.memref_slice %arg12[%mul3A_2] : memref<10240xf32, #tpu.memory_space<vmem_shared>> -> memref<640xf32, #tpu.memory_space<vmem_shared>>
      tpu.enqueue_dma source(%arg10 : memref<640xf32, #tpu.memory_space<vmem>>) target(%dma_start3A_328 : memref<640xf32, #tpu.memory_space<vmem_shared>>) target_semaphore(%run_scoped3A : memref<!tpu.dma_semaphore, #tpu.memory_space<semaphore_mem>>)
      %dma_wait3A = tpu.memref_slice %arg12[%mul3A_2] : memref<10240xf32, #tpu.memory_space<vmem_shared>> -> memref<640xf32, #tpu.memory_space<vmem_shared>>
      %dma_wait3A_329 = tpu.memref_slice %arg12[%mul3A_2] : memref<10240xf32, #tpu.memory_space<vmem_shared>> -> memref<640xf32, #tpu.memory_space<vmem_shared>>
      tpu.wait_dma2 semaphore(%run_scoped3A : memref<!tpu.dma_semaphore, #tpu.memory_space<semaphore_mem>>) src(%arg10 : memref<640xf32, #tpu.memory_space<vmem>>) dst(%dma_wait3A_329 : memref<640xf32, #tpu.memory_space<vmem_shared>>)
      tpu.yield
    }) : () -> ()
    "tpu.region"() ({
      %run_scoped3A = tpu.sem_alloc : memref<!tpu.dma_semaphore, #tpu.memory_space<semaphore_mem>>
      %dma_start3A = arith.constant 0 : i32
      %dma_start3A_328 = arith.constant 0 : i32
      %dma_start3A_329 = tpu.memref_slice %arg3[%add3A, %dma_start3A, %dma_start3A_328] : memref<32x80x128xi32, #tpu.memory_space<hbm>> -> memref<1x80x128xi32, #tpu.memory_space<hbm>>
      %dma_start3A_330 = tpu.memref_squeeze %dma_start3A_329 : memref<1x80x128xi32, #tpu.memory_space<hbm>> -> memref<80x128xi32, #tpu.memory_space<hbm>>
      %dma_start3A_331 = arith.constant 0 : i32
      %dma_start3A_332 = arith.constant 0 : i32
      %dma_start3A_333 = tpu.memref_slice %arg3[%add3A, %dma_start3A_331, %dma_start3A_332] : memref<32x80x128xi32, #tpu.memory_space<hbm>> -> memref<1x80x128xi32, #tpu.memory_space<hbm>>
      %dma_start3A_334 = tpu.memref_squeeze %dma_start3A_333 : memref<1x80x128xi32, #tpu.memory_space<hbm>> -> memref<80x128xi32, #tpu.memory_space<hbm>>
      tpu.enqueue_dma source(%dma_start3A_334 : memref<80x128xi32, #tpu.memory_space<hbm>>) target(%arg7 : memref<80x128xi32, #tpu.memory_space<vmem>>) target_semaphore(%run_scoped3A : memref<!tpu.dma_semaphore, #tpu.memory_space<semaphore_mem>>)
      %dma_wait3A = arith.constant 0 : i32
      %dma_wait3A_335 = arith.constant 0 : i32
      %dma_wait3A_336 = tpu.memref_slice %arg3[%add3A, %dma_wait3A, %dma_wait3A_335] : memref<32x80x128xi32, #tpu.memory_space<hbm>> -> memref<1x80x128xi32, #tpu.memory_space<hbm>>
      %dma_wait3A_337 = tpu.memref_squeeze %dma_wait3A_336 : memref<1x80x128xi32, #tpu.memory_space<hbm>> -> memref<80x128xi32, #tpu.memory_space<hbm>>
      %dma_wait3A_338 = arith.constant 0 : i32
      %dma_wait3A_339 = arith.constant 0 : i32
      %dma_wait3A_340 = tpu.memref_slice %arg3[%add3A, %dma_wait3A_338, %dma_wait3A_339] : memref<32x80x128xi32, #tpu.memory_space<hbm>> -> memref<1x80x128xi32, #tpu.memory_space<hbm>>
      %dma_wait3A_341 = tpu.memref_squeeze %dma_wait3A_340 : memref<1x80x128xi32, #tpu.memory_space<hbm>> -> memref<80x128xi32, #tpu.memory_space<hbm>>
      tpu.wait_dma2 semaphore(%run_scoped3A : memref<!tpu.dma_semaphore, #tpu.memory_space<semaphore_mem>>) src(%dma_wait3A_341 : memref<80x128xi32, #tpu.memory_space<hbm>>) dst(%arg7 : memref<80x128xi32, #tpu.memory_space<vmem>>)
      tpu.yield
    }) : () -> ()
    %scan3A_300 = arith.constant 0 : i32
    %scan3A_301 = arith.constant 0 : i32
    %scan3A_302 = arith.constant 80 : i32
    %scan3A_303 = arith.addi %scan3A_301, %scan3A_302 : i32
    %scan3A_304 = arith.constant 1 : i32
    scf.for %scan3A_328 = %scan3A_301 to %scan3A_303 step %scan3A_304  : i32 {
      %scan3A_329 = arith.constant 0 : i32
      %scan3A_330 = arith.constant 8 : i32
      %scan3A_331 = arith.addi %scan3A_329, %scan3A_330 : i32
      %scan3A_332 = arith.constant 1 : i32
      scf.for %scan3A_334 = %scan3A_329 to %scan3A_331 step %scan3A_332  : i32 {
        %mul3A_335 = arith.constant 16 : i32
        %mul3A_336 = arith.muli %scan3A_334, %mul3A_335 : i32
        %get3A = arith.index_cast %scan3A_328 : i32 to index
        %get3A_337 = arith.index_cast %mul3A_336 : i32 to index
        %get3A_338 = tpu.vector_load %arg7[%get3A, %get3A_337] {strides = array<i32>} : memref<80x128xi32, #tpu.memory_space<vmem>>, vector<1x16xi32>,
        %get3A_339 = vector.shape_cast %get3A_338 : vector<1x16xi32> to vector<16xi32>
        %broadcast_in_dim3A_340 = arith.constant 14 : i32
        %broadcast_in_dim3A_341 = vector.broadcast %broadcast_in_dim3A_340 : i32 to vector<16xi32>
        %shift_right_logical3A = arith.shrui %get3A_339, %broadcast_in_dim3A_341 : vector<16xi32>
        %mul3A_342 = arith.constant 16 : i32
        %mul3A_343 = arith.muli %scan3A_334, %mul3A_342 : i32
        %swap3A_344 = arith.index_cast %scan3A_328 : i32 to index
        %swap3A_345 = arith.index_cast %mul3A_343 : i32 to index
        %swap3A_346 = tpu.vector_load %arg6[%swap3A_344, %swap3A_345] {strides = array<i32>} : memref<80x128xi32, #tpu.memory_space<vmem>>, vector<1x16xi32>,
        %swap3A_347 = vector.shape_cast %swap3A_346 : vector<1x16xi32> to vector<16xi32>
        %swap3A_348 = vector.shape_cast %shift_right_logical3A : vector<16xi32> to vector<1x16xi32>
        tpu.vector_store %arg6[%swap3A_344, %swap3A_345], %swap3A_348 {strides = array<i32>} : memref<80x128xi32, #tpu.memory_space<vmem>>, vector<1x16xi32>,
        %broadcast_in_dim3A_349 = arith.constant 16383 : i32
        %broadcast_in_dim3A_350 = vector.broadcast %broadcast_in_dim3A_349 : i32 to vector<16xi32>
        %and3A = arith.andi %get3A_339, %broadcast_in_dim3A_350 : vector<16xi32>
        %mul3A_351 = arith.constant 16 : i32
        %mul3A_352 = arith.muli %scan3A_334, %mul3A_351 : i32
        %swap3A_353 = arith.index_cast %scan3A_328 : i32 to index
        %swap3A_354 = arith.index_cast %mul3A_352 : i32 to index
        %swap3A_355 = tpu.vector_load %arg7[%swap3A_353, %swap3A_354] {strides = array<i32>} : memref<80x128xi32, #tpu.memory_space<vmem>>, vector<1x16xi32>,
        %swap3A_356 = vector.shape_cast %swap3A_355 : vector<1x16xi32> to vector<16xi32>
        %swap3A_357 = vector.shape_cast %and3A : vector<16xi32> to vector<1x16xi32>
        tpu.vector_store %arg7[%swap3A_353, %swap3A_354], %swap3A_357 {strides = array<i32>} : memref<80x128xi32, #tpu.memory_space<vmem>>, vector<1x16xi32>,
      }
      %scan3A_333 = arith.constant 8 : i32
    }
    %scan3A_305 = arith.constant 80 : i32
    %barrier3A = arith.constant 0 : index
    tpu.barrier barrier_id(%barrier3A)
    %scan3A_306 = arith.constant 0 : i32
    %scan3A_307 = arith.constant 0 : i32
    %scan3A_308 = arith.constant 80 : i32
    %scan3A_309 = arith.addi %scan3A_307, %scan3A_308 : i32
    %scan3A_310 = arith.constant 1 : i32
    scf.for %scan3A_328 = %scan3A_307 to %scan3A_309 step %scan3A_310  : i32 {
      %dma_start3A = arith.constant 0 : i32
      %dma_start3A_329 = tpu.memref_slice %arg6[%scan3A_328, %dma_start3A] : memref<80x128xi32, #tpu.memory_space<vmem>> -> memref<1x128xi32, #tpu.memory_space<vmem>>
      %dma_start3A_330 = tpu.memref_squeeze %dma_start3A_329 : memref<1x128xi32, #tpu.memory_space<vmem>> -> memref<128xi32, #tpu.memory_space<vmem>>
      %dma_start3A_331 = arith.constant 0 : i32
      %dma_start3A_332 = arith.constant 0 : i32
      %dma_start3A_333 = tpu.memref_slice %arg2[%dma_start3A_331, %dma_start3A_332] : memref<10000x128xf32, #tpu.memory_space<hbm>> -> memref<10000x128xf32, #tpu.memory_space<hbm>>
      tpu.enqueue_indirect_dma source(%dma_start3A_333 : memref<10000x128xf32, #tpu.memory_space<hbm>>) target(%arg8 : memref<128x128xf32, #tpu.memory_space<vmem>>) offsets(%dma_start3A_330 : memref<128xi32, #tpu.memory_space<vmem>>) semaphore(%arg13 : memref<!tpu.dma_semaphore, #tpu.memory_space<semaphore_mem>>)
      %dma_wait3A = arith.constant 0 : i32
      %dma_wait3A_334 = tpu.memref_slice %arg6[%scan3A_328, %dma_wait3A] : memref<80x128xi32, #tpu.memory_space<vmem>> -> memref<1x128xi32, #tpu.memory_space<vmem>>
      %dma_wait3A_335 = tpu.memref_squeeze %dma_wait3A_334 : memref<1x128xi32, #tpu.memory_space<vmem>> -> memref<128xi32, #tpu.memory_space<vmem>>
      %dma_wait3A_336 = arith.constant 0 : i32
      %dma_wait3A_337 = arith.constant 0 : i32
      %dma_wait3A_338 = tpu.memref_slice %arg2[%dma_wait3A_336, %dma_wait3A_337] : memref<10000x128xf32, #tpu.memory_space<hbm>> -> memref<10000x128xf32, #tpu.memory_space<hbm>>
      tpu.wait_indirect_dma semaphore(%arg13 : memref<!tpu.dma_semaphore, #tpu.memory_space<semaphore_mem>>) src(%dma_wait3A_338 : memref<10000x128xf32, #tpu.memory_space<hbm>>) dst(%arg8 : memref<128x128xf32, #tpu.memory_space<vmem>>)
      %dma_start3A_339 = arith.constant 0 : i32
      %dma_start3A_340 = tpu.memref_slice %arg7[%scan3A_328, %dma_start3A_339] : memref<80x128xi32, #tpu.memory_space<vmem>> -> memref<1x128xi32, #tpu.memory_space<vmem>>
      %dma_start3A_341 = tpu.memref_squeeze %dma_start3A_340 : memref<1x128xi32, #tpu.memory_space<vmem>> -> memref<128xi32, #tpu.memory_space<vmem>>
      %dma_start3A_342 = arith.constant 0 : i32
      %dma_start3A_343 = tpu.memref_slice %arg12[%dma_start3A_342] : memref<10240xf32, #tpu.memory_space<vmem_shared>> -> memref<10240xf32, #tpu.memory_space<vmem_shared>>
      tpu.enqueue_indirect_dma source(%arg9 : memref<128xf32, #tpu.memory_space<vmem>>) target(%dma_start3A_343 : memref<10240xf32, #tpu.memory_space<vmem_shared>>) offsets(%dma_start3A_341 : memref<128xi32, #tpu.memory_space<vmem>>) semaphore(%arg14 : memref<!tpu.dma_semaphore, #tpu.memory_space<semaphore_mem>>) {add = true}
      "tpu.region"() ({
        %run_scoped3A = tpu.sem_alloc : memref<!tpu.dma_semaphore, #tpu.memory_space<semaphore_mem>>
        %dma_start3A_344 = arith.constant 0 : i32
        %dma_start3A_345 = tpu.memref_slice %arg7[%scan3A_328, %dma_start3A_344] : memref<80x128xi32, #tpu.memory_space<vmem>> -> memref<1x128xi32, #tpu.memory_space<vmem>>
        %dma_start3A_346 = tpu.memref_squeeze %dma_start3A_345 : memref<1x128xi32, #tpu.memory_space<vmem>> -> memref<128xi32, #tpu.memory_space<vmem>>
        %dma_start3A_347 = arith.constant 0 : i32
        %dma_start3A_348 = arith.constant 0 : i32
        %dma_start3A_349 = tpu.memref_slice %arg11[%dma_start3A_347, %dma_start3A_348] : memref<10240x128xf32, #tpu.memory_space<vmem_shared>> -> memref<10240x128xf32, #tpu.memory_space<vmem_shared>>
        tpu.enqueue_indirect_dma source(%arg8 : memref<128x128xf32, #tpu.memory_space<vmem>>) target(%dma_start3A_349 : memref<10240x128xf32, #tpu.memory_space<vmem_shared>>) offsets(%dma_start3A_346 : memref<128xi32, #tpu.memory_space<vmem>>) semaphore(%run_scoped3A : memref<!tpu.dma_semaphore, #tpu.memory_space<semaphore_mem>>) {add = true}
        %dma_wait3A_350 = arith.constant 0 : i32
        %dma_wait3A_351 = tpu.memref_slice %arg7[%scan3A_328, %dma_wait3A_350] : memref<80x128xi32, #tpu.memory_space<vmem>> -> memref<1x128xi32, #tpu.memory_space<vmem>>
        %dma_wait3A_352 = tpu.memref_squeeze %dma_wait3A_351 : memref<1x128xi32, #tpu.memory_space<vmem>> -> memref<128xi32, #tpu.memory_space<vmem>>
        %dma_wait3A_353 = arith.constant 0 : i32
        %dma_wait3A_354 = arith.constant 0 : i32
        %dma_wait3A_355 = tpu.memref_slice %arg11[%dma_wait3A_353, %dma_wait3A_354] : memref<10240x128xf32, #tpu.memory_space<vmem_shared>> -> memref<10240x128xf32, #tpu.memory_space<vmem_shared>>
        tpu.wait_indirect_dma semaphore(%run_scoped3A : memref<!tpu.dma_semaphore, #tpu.memory_space<semaphore_mem>>) src(%arg8 : memref<128x128xf32, #tpu.memory_space<vmem>>) dst(%dma_wait3A_355 : memref<10240x128xf32, #tpu.memory_space<vmem_shared>>)
        tpu.yield
      }) : () -> ()
    }
    %scan3A_311 = arith.constant 80 : i32
    %scan3A_312 = arith.constant 0 : i32
    %scan3A_313 = arith.constant 0 : i32
    %scan3A_314 = arith.constant 80 : i32
    %scan3A_315 = arith.addi %scan3A_313, %scan3A_314 : i32
    %scan3A_316 = arith.constant 1 : i32
    scf.for %scan3A_328 = %scan3A_313 to %scan3A_315 step %scan3A_316  : i32 {
      %dma_wait3A = arith.constant 0 : i32
      %dma_wait3A_329 = arith.constant 0 : i32
      %dma_wait3A_330 = tpu.memref_slice %arg7[%dma_wait3A, %dma_wait3A_329] : memref<80x128xi32, #tpu.memory_space<vmem>> -> memref<1x128xi32, #tpu.memory_space<vmem>>
      %dma_wait3A_331 = tpu.memref_squeeze %dma_wait3A_330 : memref<1x128xi32, #tpu.memory_space<vmem>> -> memref<128xi32, #tpu.memory_space<vmem>>
      %dma_wait3A_332 = arith.constant 0 : i32
      %dma_wait3A_333 = tpu.memref_slice %arg12[%dma_wait3A_332] : memref<10240xf32, #tpu.memory_space<vmem_shared>> -> memref<10240xf32, #tpu.memory_space<vmem_shared>>
      tpu.wait_indirect_dma semaphore(%arg14 : memref<!tpu.dma_semaphore, #tpu.memory_space<semaphore_mem>>) src(%arg9 : memref<128xf32, #tpu.memory_space<vmem>>) dst(%dma_wait3A_333 : memref<10240xf32, #tpu.memory_space<vmem_shared>>)
    }
    %scan3A_317 = arith.constant 80 : i32
    %barrier3A_318 = arith.constant 0 : index
    tpu.barrier barrier_id(%barrier3A_318)
    %mul3A_319 = arith.constant 10240 : i32
    %mul3A_320 = arith.muli %arg0, %mul3A_319 : i32
    %add3A_321 = arith.addi %mul3A_320, %mul3A_2 : i32
    %scan3A_322 = arith.constant 0 : i32
    %scan3A_323 = arith.constant 0 : i32
    %scan3A_324 = arith.constant 5 : i32
    %scan3A_325 = arith.addi %scan3A_323, %scan3A_324 : i32
    %scan3A_326 = arith.constant 1 : i32
    scf.for %scan3A_328 = %scan3A_323 to %scan3A_325 step %scan3A_326  : i32 {
      %mul3A_329 = arith.constant 128 : i32
      %mul3A_330 = arith.muli %scan3A_328, %mul3A_329 : i32
      %add3A_331 = arith.addi %mul3A_2, %mul3A_330 : i32
      "tpu.region"() ({
        %run_scoped3A = tpu.sem_alloc : memref<!tpu.dma_semaphore, #tpu.memory_space<semaphore_mem>>
        %dma_start3A = arith.constant 0 : i32
        %dma_start3A_333 = tpu.memref_slice %arg11[%add3A_331, %dma_start3A] : memref<10240x128xf32, #tpu.memory_space<vmem_shared>> -> memref<128x128xf32, #tpu.memory_space<vmem_shared>>
        %dma_start3A_334 = arith.constant 0 : i32
        %dma_start3A_335 = tpu.memref_slice %arg11[%add3A_331, %dma_start3A_334] : memref<10240x128xf32, #tpu.memory_space<vmem_shared>> -> memref<128x128xf32, #tpu.memory_space<vmem_shared>>
        tpu.enqueue_dma source(%dma_start3A_335 : memref<128x128xf32, #tpu.memory_space<vmem_shared>>) target(%arg8 : memref<128x128xf32, #tpu.memory_space<vmem>>) target_semaphore(%run_scoped3A : memref<!tpu.dma_semaphore, #tpu.memory_space<semaphore_mem>>)
        %dma_wait3A = arith.constant 0 : i32
        %dma_wait3A_336 = tpu.memref_slice %arg11[%add3A_331, %dma_wait3A] : memref<10240x128xf32, #tpu.memory_space<vmem_shared>> -> memref<128x128xf32, #tpu.memory_space<vmem_shared>>
        %dma_wait3A_337 = arith.constant 0 : i32
        %dma_wait3A_338 = tpu.memref_slice %arg11[%add3A_331, %dma_wait3A_337] : memref<10240x128xf32, #tpu.memory_space<vmem_shared>> -> memref<128x128xf32, #tpu.memory_space<vmem_shared>>
        tpu.wait_dma2 semaphore(%run_scoped3A : memref<!tpu.dma_semaphore, #tpu.memory_space<semaphore_mem>>) src(%dma_wait3A_338 : memref<128x128xf32, #tpu.memory_space<vmem_shared>>) dst(%arg8 : memref<128x128xf32, #tpu.memory_space<vmem>>)
        tpu.yield
      }) : () -> ()
      %add3A_332 = arith.addi %add3A_321, %mul3A_330 : i32
      "tpu.region"() ({
        %run_scoped3A = tpu.sem_alloc : memref<!tpu.dma_semaphore, #tpu.memory_space<semaphore_mem>>
        %dma_start3A = arith.constant 0 : i32
        %dma_start3A_333 = tpu.memref_slice %arg4[%add3A_332, %dma_start3A] : memref<20480x128xf32, #tpu.memory_space<hbm>> -> memref<128x128xf32, #tpu.memory_space<hbm>>
        %dma_start3A_334 = arith.constant 0 : i32
        %dma_start3A_335 = tpu.memref_slice %arg4[%add3A_332, %dma_start3A_334] : memref<20480x128xf32, #tpu.memory_space<hbm>> -> memref<128x128xf32, #tpu.memory_space<hbm>>
        tpu.enqueue_dma source(%arg8 : memref<128x128xf32, #tpu.memory_space<vmem>>) target(%dma_start3A_335 : memref<128x128xf32, #tpu.memory_space<hbm>>) target_semaphore(%run_scoped3A : memref<!tpu.dma_semaphore, #tpu.memory_space<semaphore_mem>>)
        %dma_wait3A = arith.constant 0 : i32
        %dma_wait3A_336 = tpu.memref_slice %arg4[%add3A_332, %dma_wait3A] : memref<20480x128xf32, #tpu.memory_space<hbm>> -> memref<128x128xf32, #tpu.memory_space<hbm>>
        %dma_wait3A_337 = arith.constant 0 : i32
        %dma_wait3A_338 = tpu.memref_slice %arg4[%add3A_332, %dma_wait3A_337] : memref<20480x128xf32, #tpu.memory_space<hbm>> -> memref<128x128xf32, #tpu.memory_space<hbm>>
        tpu.wait_dma2 semaphore(%run_scoped3A : memref<!tpu.dma_semaphore, #tpu.memory_space<semaphore_mem>>) src(%arg8 : memref<128x128xf32, #tpu.memory_space<vmem>>) dst(%dma_wait3A_338 : memref<128x128xf32, #tpu.memory_space<hbm>>)
        tpu.yield
      }) : () -> ()
    }
    %scan3A_327 = arith.constant 5 : i32
    "tpu.region"() ({
      %run_scoped3A = tpu.sem_alloc : memref<!tpu.dma_semaphore, #tpu.memory_space<semaphore_mem>>
      %dma_start3A = tpu.memref_slice %arg12[%mul3A_2] : memref<10240xf32, #tpu.memory_space<vmem_shared>> -> memref<640xf32, #tpu.memory_space<vmem_shared>>
      %dma_start3A_328 = tpu.memref_slice %arg12[%mul3A_2] : memref<10240xf32, #tpu.memory_space<vmem_shared>> -> memref<640xf32, #tpu.memory_space<vmem_shared>>
      tpu.enqueue_dma source(%dma_start3A_328 : memref<640xf32, #tpu.memory_space<vmem_shared>>) target(%arg10 : memref<640xf32, #tpu.memory_space<vmem>>) target_semaphore(%run_scoped3A : memref<!tpu.dma_semaphore, #tpu.memory_space<semaphore_mem>>)
      %dma_wait3A = tpu.memref_slice %arg12[%mul3A_2] : memref<10240xf32, #tpu.memory_space<vmem_shared>> -> memref<640xf32, #tpu.memory_space<vmem_shared>>
      %dma_wait3A_329 = tpu.memref_slice %arg12[%mul3A_2] : memref<10240xf32, #tpu.memory_space<vmem_shared>> -> memref<640xf32, #tpu.memory_space<vmem_shared>>
      tpu.wait_dma2 semaphore(%run_scoped3A : memref<!tpu.dma_semaphore, #tpu.memory_space<semaphore_mem>>) src(%dma_wait3A_329 : memref<640xf32, #tpu.memory_space<vmem_shared>>) dst(%arg10 : memref<640xf32, #tpu.memory_space<vmem>>)
      tpu.yield
    }) : () -> ()
    "tpu.region"() ({
      %run_scoped3A = tpu.sem_alloc : memref<!tpu.dma_semaphore, #tpu.memory_space<semaphore_mem>>
      %dma_start3A = tpu.memref_slice %arg5[%add3A_321] : memref<20480xf32, #tpu.memory_space<hbm>> -> memref<640xf32, #tpu.memory_space<hbm>>
      %dma_start3A_328 = tpu.memref_slice %arg5[%add3A_321] : memref<20480xf32, #tpu.memory_space<hbm>> -> memref<640xf32, #tpu.memory_space<hbm>>
      tpu.enqueue_dma source(%arg10 : memref<640xf32, #tpu.memory_space<vmem>>) target(%dma_start3A_328 : memref<640xf32, #tpu.memory_space<hbm>>) target_semaphore(%run_scoped3A : memref<!tpu.dma_semaphore, #tpu.memory_space<semaphore_mem>>)
      %dma_wait3A = tpu.memref_slice %arg5[%add3A_321] : memref<20480xf32, #tpu.memory_space<hbm>> -> memref<640xf32, #tpu.memory_space<hbm>>
      %dma_wait3A_329 = tpu.memref_slice %arg5[%add3A_321] : memref<20480xf32, #tpu.memory_space<hbm>> -> memref<640xf32, #tpu.memory_space<hbm>>
      tpu.wait_dma2 semaphore(%run_scoped3A : memref<!tpu.dma_semaphore, #tpu.memory_space<semaphore_mem>>) src(%arg10 : memref<640xf32, #tpu.memory_space<vmem>>) dst(%dma_wait3A_329 : memref<640xf32, #tpu.memory_space<hbm>>)
      tpu.yield
    }) : () -> ()
    return
  }
}

#map = affine_map<(d0, d1) -> (0, 0)>
#map1 = affine_map<(d0, d1) -> (0, 0, 0)>
#map2 = affine_map<(d0, d1) -> (0)>
module attributes {stable_mosaic.version = 14 : i64} {
  func.func @body(%arg0: i32, %arg1: i32, %arg2: memref<10000x128xf32, #tpu.memory_space<hbm>>, %arg3: memref<32x80x128xi32, #tpu.memory_space<hbm>>, %arg4: memref<20480x128xf32, #tpu.memory_space<hbm>>, %arg5: memref<20480xf32, #tpu.memory_space<hbm>>, %arg6: memref<80x128xi32, #tpu.memory_space<vmem>>, %arg7: memref<80x128xi32, #tpu.memory_space<vmem>>, %arg8: memref<128x128xf32, #tpu.memory_space<vmem>>, %arg9: memref<128xf32, #tpu.memory_space<vmem>>, %arg10: memref<640xf32, #tpu.memory_space<vmem>>, %arg11: memref<10240x128xf32, #tpu.memory_space<vmem_shared>>, %arg12: memref<10240xf32, #tpu.memory_space<vmem_shared>>, %arg13: memref<!tpu.dma_semaphore, #tpu.memory_space<semaphore_mem>>, %arg14: memref<!tpu.dma_semaphore, #tpu.memory_space<semaphore_mem>>) attributes {dimension_semantics = [#tpu.dimension_semantics<core_parallel>, #tpu.dimension_semantics<subcore_parallel>], iteration_bounds = array<i64: 2, 16>, scalar_prefetch = 0 : i64, scratch_operands = 9 : i64, tpu.core_type = #tpu.core_type<sc_vector_subcore>, window_params = [{transform_indices = #map}, {transform_indices = #map1}, {transform_indices = #map}, {transform_indices = #map2}]} {
    %mul3A = arith.constant 16 : i32
    %mul3A_0 = arith.muli %arg0, %mul3A : i32
    %add3A = arith.addi %mul3A_0, %arg1 : i32
    %mul3A_1 = arith.constant 640 : i32
    %mul3A_2 = arith.muli %arg1, %mul3A_1 : i32
    %scan3A = arith.constant 0 : i32
    %scan3A_3 = arith.constant 0 : i32
    %scan3A_4 = arith.constant 128 : i32
    %scan3A_5 = arith.addi %scan3A_3, %scan3A_4 : i32
    %scan3A_6 = arith.constant 1 : i32
    scf.for %scan3A_328 = %scan3A_3 to %scan3A_5 step %scan3A_6  : i32 {
      %broadcast_in_dim3A_329 = arith.constant 0.000000e+00 : f32
      %broadcast_in_dim3A_330 = vector.broadcast %broadcast_in_dim3A_329 : f32 to vector<16xf32>
      %swap3A_331 = arith.index_cast %scan3A_328 : i32 to index
      %swap3A_332 = arith.constant 0 : index
      %swap3A_333 = tpu.vector_load %arg8[%swap3A_331, %swap3A_332] {strides = array<i32>} : memref<128x128xf32, #tpu.memory_space<vmem>>, vector<1x16xf32>,
      %swap3A_334 = vector.shape_cast %swap3A_333 : vector<1x16xf32> to vector<16xf32>
      %swap3A_335 = vector.shape_cast %broadcast_in_dim3A_330 : vector<16xf32> to vector<1x16xf32>
      tpu.vector_store %arg8[%swap3A_331, %swap3A_332], %swap3A_335 {strides = array<i32>} : memref<128x128xf32, #tpu.memory_space<vmem>>, vector<1x16xf32>,
      %broadcast_in_dim3A_336 = arith.constant 0.000000e+00 : f32
      %broadcast_in_dim3A_337 = vector.broadcast %broadcast_in_dim3A_336 : f32 to vector<16xf32>
      %swap3A_338 = arith.index_cast %scan3A_328 : i32 to index
      %swap3A_339 = arith.constant 16 : index
      %swap3A_340 = tpu.vector_load %arg8[%swap3A_338, %swap3A_339] {strides = array<i32>} : memref<128x128xf32, #tpu.memory_space<vmem>>, vector<1x16xf32>,
      %swap3A_341 = vector.shape_cast %swap3A_340 : vector<1x16xf32> to vector<16xf32>
      %swap3A_342 = vector.shape_cast %broadcast_in_dim3A_337 : vector<16xf32> to vector<1x16xf32>
      tpu.vector_store %arg8[%swap3A_338, %swap3A_339], %swap3A_342 {strides = array<i32>} : memref<128x128xf32, #tpu.memory_space<vmem>>, vector<1x16xf32>,
      %broadcast_in_dim3A_343 = arith.constant 0.000000e+00 : f32
      %broadcast_in_dim3A_344 = vector.broadcast %broadcast_in_dim3A_343 : f32 to vector<16xf32>
      %swap3A_345 = arith.index_cast %scan3A_328 : i32 to index
      %swap3A_346 = arith.constant 32 : index
      %swap3A_347 = tpu.vector_load %arg8[%swap3A_345, %swap3A_346] {strides = array<i32>} : memref<128x128xf32, #tpu.memory_space<vmem>>, vector<1x16xf32>,
      %swap3A_348 = vector.shape_cast %swap3A_347 : vector<1x16xf32> to vector<16xf32>
      %swap3A_349 = vector.shape_cast %broadcast_in_dim3A_344 : vector<16xf32> to vector<1x16xf32>
      tpu.vector_store %arg8[%swap3A_345, %swap3A_346], %swap3A_349 {strides = array<i32>} : memref<128x128xf32, #tpu.memory_space<vmem>>, vector<1x16xf32>,
      %broadcast_in_dim3A_350 = arith.constant 0.000000e+00 : f32
      %broadcast_in_dim3A_351 = vector.broadcast %broadcast_in_dim3A_350 : f32 to vector<16xf32>
      %swap3A_352 = arith.index_cast %scan3A_328 : i32 to index
      %swap3A_353 = arith.constant 48 : index
      %swap3A_354 = tpu.vector_load %arg8[%swap3A_352, %swap3A_353] {strides = array<i32>} : memref<128x128xf32, #tpu.memory_space<vmem>>, vector<1x16xf32>,
      %swap3A_355 = vector.shape_cast %swap3A_354 : vector<1x16xf32> to vector<16xf32>
      %swap3A_356 = vector.shape_cast %broadcast_in_dim3A_351 : vector<16xf32> to vector<1x16xf32>
      tpu.vector_store %arg8[%swap3A_352, %swap3A_353], %swap3A_356 {strides = array<i32>} : memref<128x128xf32, #tpu.memory_space<vmem>>, vector<1x16xf32>,
      %broadcast_in_dim3A_357 = arith.constant 0.000000e+00 : f32
      %broadcast_in_dim3A_358 = vector.broadcast %broadcast_in_dim3A_357 : f32 to vector<16xf32>
      %swap3A_359 = arith.index_cast %scan3A_328 : i32 to index
      %swap3A_360 = arith.constant 64 : index
      %swap3A_361 = tpu.vector_load %arg8[%swap3A_359, %swap3A_360] {strides = array<i32>} : memref<128x128xf32, #tpu.memory_space<vmem>>, vector<1x16xf32>,
      %swap3A_362 = vector.shape_cast %swap3A_361 : vector<1x16xf32> to vector<16xf32>
      %swap3A_363 = vector.shape_cast %broadcast_in_dim3A_358 : vector<16xf32> to vector<1x16xf32>
      tpu.vector_store %arg8[%swap3A_359, %swap3A_360], %swap3A_363 {strides = array<i32>} : memref<128x128xf32, #tpu.memory_space<vmem>>, vector<1x16xf32>,
      %broadcast_in_dim3A_364 = arith.constant 0.000000e+00 : f32
      %broadcast_in_dim3A_365 = vector.broadcast %broadcast_in_dim3A_364 : f32 to vector<16xf32>
      %swap3A_366 = arith.index_cast %scan3A_328 : i32 to index
      %swap3A_367 = arith.constant 80 : index
      %swap3A_368 = tpu.vector_load %arg8[%swap3A_366, %swap3A_367] {strides = array<i32>} : memref<128x128xf32, #tpu.memory_space<vmem>>, vector<1x16xf32>,
      %swap3A_369 = vector.shape_cast %swap3A_368 : vector<1x16xf32> to vector<16xf32>
      %swap3A_370 = vector.shape_cast %broadcast_in_dim3A_365 : vector<16xf32> to vector<1x16xf32>
      tpu.vector_store %arg8[%swap3A_366, %swap3A_367], %swap3A_370 {strides = array<i32>} : memref<128x128xf32, #tpu.memory_space<vmem>>, vector<1x16xf32>,
      %broadcast_in_dim3A_371 = arith.constant 0.000000e+00 : f32
      %broadcast_in_dim3A_372 = vector.broadcast %broadcast_in_dim3A_371 : f32 to vector<16xf32>
      %swap3A_373 = arith.index_cast %scan3A_328 : i32 to index
      %swap3A_374 = arith.constant 96 : index
      %swap3A_375 = tpu.vector_load %arg8[%swap3A_373, %swap3A_374] {strides = array<i32>} : memref<128x128xf32, #tpu.memory_space<vmem>>, vector<1x16xf32>,
      %swap3A_376 = vector.shape_cast %swap3A_375 : vector<1x16xf32> to vector<16xf32>
      %swap3A_377 = vector.shape_cast %broadcast_in_dim3A_372 : vector<16xf32> to vector<1x16xf32>
      tpu.vector_store %arg8[%swap3A_373, %swap3A_374], %swap3A_377 {strides = array<i32>} : memref<128x128xf32, #tpu.memory_space<vmem>>, vector<1x16xf32>,
      %broadcast_in_dim3A_378 = arith.constant 0.000000e+00 : f32
      %broadcast_in_dim3A_379 = vector.broadcast %broadcast_in_dim3A_378 : f32 to vector<16xf32>
      %swap3A_380 = arith.index_cast %scan3A_328 : i32 to index
      %swap3A_381 = arith.constant 112 : index
      %swap3A_382 = tpu.vector_load %arg8[%swap3A_380, %swap3A_381] {strides = array<i32>} : memref<128x128xf32, #tpu.memory_space<vmem>>, vector<1x16xf32>,
      %swap3A_383 = vector.shape_cast %swap3A_382 : vector<1x16xf32> to vector<16xf32>
      %swap3A_384 = vector.shape_cast %broadcast_in_dim3A_379 : vector<16xf32> to vector<1x16xf32>
      tpu.vector_store %arg8[%swap3A_380, %swap3A_381], %swap3A_384 {strides = array<i32>} : memref<128x128xf32, #tpu.memory_space<vmem>>, vector<1x16xf32>,
    }
    %scan3A_7 = arith.constant 128 : i32
    %broadcast_in_dim3A = arith.constant 1.000000e+00 : f32
    %broadcast_in_dim3A_8 = vector.broadcast %broadcast_in_dim3A : f32 to vector<16xf32>
    %swap3A = arith.constant 0 : index
    %swap3A_9 = tpu.vector_load %arg9[%swap3A] {strides = array<i32>} : memref<128xf32, #tpu.memory_space<vmem>>, vector<16xf32>,
    %swap3A_10 = vector.shape_cast %swap3A_9 : vector<16xf32> to vector<16xf32>
    %swap3A_11 = vector.shape_cast %broadcast_in_dim3A_8 : vector<16xf32> to vector<16xf32>
    tpu.vector_store %arg9[%swap3A], %swap3A_11 {strides = array<i32>} : memref<128xf32, #tpu.memory_space<vmem>>, vector<16xf32>,
    %broadcast_in_dim3A_12 = arith.constant 1.000000e+00 : f32
    %broadcast_in_dim3A_13 = vector.broadcast %broadcast_in_dim3A_12 : f32 to vector<16xf32>
    %swap3A_14 = arith.constant 16 : index
    %swap3A_15 = tpu.vector_load %arg9[%swap3A_14] {strides = array<i32>} : memref<128xf32, #tpu.memory_space<vmem>>, vector<16xf32>,
    %swap3A_16 = vector.shape_cast %swap3A_15 : vector<16xf32> to vector<16xf32>
    %swap3A_17 = vector.shape_cast %broadcast_in_dim3A_13 : vector<16xf32> to vector<16xf32>
    tpu.vector_store %arg9[%swap3A_14], %swap3A_17 {strides = array<i32>} : memref<128xf32, #tpu.memory_space<vmem>>, vector<16xf32>,
    %broadcast_in_dim3A_18 = arith.constant 1.000000e+00 : f32
    %broadcast_in_dim3A_19 = vector.broadcast %broadcast_in_dim3A_18 : f32 to vector<16xf32>
    %swap3A_20 = arith.constant 32 : index
    %swap3A_21 = tpu.vector_load %arg9[%swap3A_20] {strides = array<i32>} : memref<128xf32, #tpu.memory_space<vmem>>, vector<16xf32>,
    %swap3A_22 = vector.shape_cast %swap3A_21 : vector<16xf32> to vector<16xf32>
    %swap3A_23 = vector.shape_cast %broadcast_in_dim3A_19 : vector<16xf32> to vector<16xf32>
    tpu.vector_store %arg9[%swap3A_20], %swap3A_23 {strides = array<i32>} : memref<128xf32, #tpu.memory_space<vmem>>, vector<16xf32>,
    %broadcast_in_dim3A_24 = arith.constant 1.000000e+00 : f32
    %broadcast_in_dim3A_25 = vector.broadcast %broadcast_in_dim3A_24 : f32 to vector<16xf32>
    %swap3A_26 = arith.constant 48 : index
    %swap3A_27 = tpu.vector_load %arg9[%swap3A_26] {strides = array<i32>} : memref<128xf32, #tpu.memory_space<vmem>>, vector<16xf32>,
    %swap3A_28 = vector.shape_cast %swap3A_27 : vector<16xf32> to vector<16xf32>
    %swap3A_29 = vector.shape_cast %broadcast_in_dim3A_25 : vector<16xf32> to vector<16xf32>
    tpu.vector_store %arg9[%swap3A_26], %swap3A_29 {strides = array<i32>} : memref<128xf32, #tpu.memory_space<vmem>>, vector<16xf32>,
    %broadcast_in_dim3A_30 = arith.constant 1.000000e+00 : f32
    %broadcast_in_dim3A_31 = vector.broadcast %broadcast_in_dim3A_30 : f32 to vector<16xf32>
    %swap3A_32 = arith.constant 64 : index
    %swap3A_33 = tpu.vector_load %arg9[%swap3A_32] {strides = array<i32>} : memref<128xf32, #tpu.memory_space<vmem>>, vector<16xf32>,
    %swap3A_34 = vector.shape_cast %swap3A_33 : vector<16xf32> to vector<16xf32>
    %swap3A_35 = vector.shape_cast %broadcast_in_dim3A_31 : vector<16xf32> to vector<16xf32>
    tpu.vector_store %arg9[%swap3A_32], %swap3A_35 {strides = array<i32>} : memref<128xf32, #tpu.memory_space<vmem>>, vector<16xf32>,
    %broadcast_in_dim3A_36 = arith.constant 1.000000e+00 : f32
    %broadcast_in_dim3A_37 = vector.broadcast %broadcast_in_dim3A_36 : f32 to vector<16xf32>
    %swap3A_38 = arith.constant 80 : index
    %swap3A_39 = tpu.vector_load %arg9[%swap3A_38] {strides = array<i32>} : memref<128xf32, #tpu.memory_space<vmem>>, vector<16xf32>,
    %swap3A_40 = vector.shape_cast %swap3A_39 : vector<16xf32> to vector<16xf32>
    %swap3A_41 = vector.shape_cast %broadcast_in_dim3A_37 : vector<16xf32> to vector<16xf32>
    tpu.vector_store %arg9[%swap3A_38], %swap3A_41 {strides = array<i32>} : memref<128xf32, #tpu.memory_space<vmem>>, vector<16xf32>,
    %broadcast_in_dim3A_42 = arith.constant 1.000000e+00 : f32
    %broadcast_in_dim3A_43 = vector.broadcast %broadcast_in_dim3A_42 : f32 to vector<16xf32>
    %swap3A_44 = arith.constant 96 : index
    %swap3A_45 = tpu.vector_load %arg9[%swap3A_44] {strides = array<i32>} : memref<128xf32, #tpu.memory_space<vmem>>, vector<16xf32>,
    %swap3A_46 = vector.shape_cast %swap3A_45 : vector<16xf32> to vector<16xf32>
    %swap3A_47 = vector.shape_cast %broadcast_in_dim3A_43 : vector<16xf32> to vector<16xf32>
    tpu.vector_store %arg9[%swap3A_44], %swap3A_47 {strides = array<i32>} : memref<128xf32, #tpu.memory_space<vmem>>, vector<16xf32>,
    %broadcast_in_dim3A_48 = arith.constant 1.000000e+00 : f32
    %broadcast_in_dim3A_49 = vector.broadcast %broadcast_in_dim3A_48 : f32 to vector<16xf32>
    %swap3A_50 = arith.constant 112 : index
    %swap3A_51 = tpu.vector_load %arg9[%swap3A_50] {strides = array<i32>} : memref<128xf32, #tpu.memory_space<vmem>>, vector<16xf32>,
    %swap3A_52 = vector.shape_cast %swap3A_51 : vector<16xf32> to vector<16xf32>
    %swap3A_53 = vector.shape_cast %broadcast_in_dim3A_49 : vector<16xf32> to vector<16xf32>
    tpu.vector_store %arg9[%swap3A_50], %swap3A_53 {strides = array<i32>} : memref<128xf32, #tpu.memory_space<vmem>>, vector<16xf32>,
    %broadcast_in_dim3A_54 = arith.constant 0.000000e+00 : f32
    %broadcast_in_dim3A_55 = vector.broadcast %broadcast_in_dim3A_54 : f32 to vector<16xf32>
    %swap3A_56 = arith.constant 0 : index
    %swap3A_57 = tpu.vector_load %arg10[%swap3A_56] {strides = array<i32>} : memref<640xf32, #tpu.memory_space<vmem>>, vector<16xf32>,
    %swap3A_58 = vector.shape_cast %swap3A_57 : vector<16xf32> to vector<16xf32>
    %swap3A_59 = vector.shape_cast %broadcast_in_dim3A_55 : vector<16xf32> to vector<16xf32>
    tpu.vector_store %arg10[%swap3A_56], %swap3A_59 {strides = array<i32>} : memref<640xf32, #tpu.memory_space<vmem>>, vector<16xf32>,
    %broadcast_in_dim3A_60 = arith.constant 0.000000e+00 : f32
    %broadcast_in_dim3A_61 = vector.broadcast %broadcast_in_dim3A_60 : f32 to vector<16xf32>
    %swap3A_62 = arith.constant 16 : index
    %swap3A_63 = tpu.vector_load %arg10[%swap3A_62] {strides = array<i32>} : memref<640xf32, #tpu.memory_space<vmem>>, vector<16xf32>,
    %swap3A_64 = vector.shape_cast %swap3A_63 : vector<16xf32> to vector<16xf32>
    %swap3A_65 = vector.shape_cast %broadcast_in_dim3A_61 : vector<16xf32> to vector<16xf32>
    tpu.vector_store %arg10[%swap3A_62], %swap3A_65 {strides = array<i32>} : memref<640xf32, #tpu.memory_space<vmem>>, vector<16xf32>,
    %broadcast_in_dim3A_66 = arith.constant 0.000000e+00 : f32
    %broadcast_in_dim3A_67 = vector.broadcast %broadcast_in_dim3A_66 : f32 to vector<16xf32>
    %swap3A_68 = arith.constant 32 : index
    %swap3A_69 = tpu.vector_load %arg10[%swap3A_68] {strides = array<i32>} : memref<640xf32, #tpu.memory_space<vmem>>, vector<16xf32>,
    %swap3A_70 = vector.shape_cast %swap3A_69 : vector<16xf32> to vector<16xf32>
    %swap3A_71 = vector.shape_cast %broadcast_in_dim3A_67 : vector<16xf32> to vector<16xf32>
    tpu.vector_store %arg10[%swap3A_68], %swap3A_71 {strides = array<i32>} : memref<640xf32, #tpu.memory_space<vmem>>, vector<16xf32>,
    %broadcast_in_dim3A_72 = arith.constant 0.000000e+00 : f32
    %broadcast_in_dim3A_73 = vector.broadcast %broadcast_in_dim3A_72 : f32 to vector<16xf32>
    %swap3A_74 = arith.constant 48 : index
    %swap3A_75 = tpu.vector_load %arg10[%swap3A_74] {strides = array<i32>} : memref<640xf32, #tpu.memory_space<vmem>>, vector<16xf32>,
    %swap3A_76 = vector.shape_cast %swap3A_75 : vector<16xf32> to vector<16xf32>
    %swap3A_77 = vector.shape_cast %broadcast_in_dim3A_73 : vector<16xf32> to vector<16xf32>
    tpu.vector_store %arg10[%swap3A_74], %swap3A_77 {strides = array<i32>} : memref<640xf32, #tpu.memory_space<vmem>>, vector<16xf32>,
    %broadcast_in_dim3A_78 = arith.constant 0.000000e+00 : f32
    %broadcast_in_dim3A_79 = vector.broadcast %broadcast_in_dim3A_78 : f32 to vector<16xf32>
    %swap3A_80 = arith.constant 64 : index
    %swap3A_81 = tpu.vector_load %arg10[%swap3A_80] {strides = array<i32>} : memref<640xf32, #tpu.memory_space<vmem>>, vector<16xf32>,
    %swap3A_82 = vector.shape_cast %swap3A_81 : vector<16xf32> to vector<16xf32>
    %swap3A_83 = vector.shape_cast %broadcast_in_dim3A_79 : vector<16xf32> to vector<16xf32>
    tpu.vector_store %arg10[%swap3A_80], %swap3A_83 {strides = array<i32>} : memref<640xf32, #tpu.memory_space<vmem>>, vector<16xf32>,
    %broadcast_in_dim3A_84 = arith.constant 0.000000e+00 : f32
    %broadcast_in_dim3A_85 = vector.broadcast %broadcast_in_dim3A_84 : f32 to vector<16xf32>
    %swap3A_86 = arith.constant 80 : index
    %swap3A_87 = tpu.vector_load %arg10[%swap3A_86] {strides = array<i32>} : memref<640xf32, #tpu.memory_space<vmem>>, vector<16xf32>,
    %swap3A_88 = vector.shape_cast %swap3A_87 : vector<16xf32> to vector<16xf32>
    %swap3A_89 = vector.shape_cast %broadcast_in_dim3A_85 : vector<16xf32> to vector<16xf32>
    tpu.vector_store %arg10[%swap3A_86], %swap3A_89 {strides = array<i32>} : memref<640xf32, #tpu.memory_space<vmem>>, vector<16xf32>,
    %broadcast_in_dim3A_90 = arith.constant 0.000000e+00 : f32
    %broadcast_in_dim3A_91 = vector.broadcast %broadcast_in_dim3A_90 : f32 to vector<16xf32>
    %swap3A_92 = arith.constant 96 : index
    %swap3A_93 = tpu.vector_load %arg10[%swap3A_92] {strides = array<i32>} : memref<640xf32, #tpu.memory_space<vmem>>, vector<16xf32>,
    %swap3A_94 = vector.shape_cast %swap3A_93 : vector<16xf32> to vector<16xf32>
    %swap3A_95 = vector.shape_cast %broadcast_in_dim3A_91 : vector<16xf32> to vector<16xf32>
    tpu.vector_store %arg10[%swap3A_92], %swap3A_95 {strides = array<i32>} : memref<640xf32, #tpu.memory_space<vmem>>, vector<16xf32>,
    %broadcast_in_dim3A_96 = arith.constant 0.000000e+00 : f32
    %broadcast_in_dim3A_97 = vector.broadcast %broadcast_in_dim3A_96 : f32 to vector<16xf32>
    %swap3A_98 = arith.constant 112 : index
    %swap3A_99 = tpu.vector_load %arg10[%swap3A_98] {strides = array<i32>} : memref<640xf32, #tpu.memory_space<vmem>>, vector<16xf32>,
    %swap3A_100 = vector.shape_cast %swap3A_99 : vector<16xf32> to vector<16xf32>
    %swap3A_101 = vector.shape_cast %broadcast_in_dim3A_97 : vector<16xf32> to vector<16xf32>
    tpu.vector_store %arg10[%swap3A_98], %swap3A_101 {strides = array<i32>} : memref<640xf32, #tpu.memory_space<vmem>>, vector<16xf32>,
    %broadcast_in_dim3A_102 = arith.constant 0.000000e+00 : f32
    %broadcast_in_dim3A_103 = vector.broadcast %broadcast_in_dim3A_102 : f32 to vector<16xf32>
    %swap3A_104 = arith.constant 128 : index
    %swap3A_105 = tpu.vector_load %arg10[%swap3A_104] {strides = array<i32>} : memref<640xf32, #tpu.memory_space<vmem>>, vector<16xf32>,
    %swap3A_106 = vector.shape_cast %swap3A_105 : vector<16xf32> to vector<16xf32>
    %swap3A_107 = vector.shape_cast %broadcast_in_dim3A_103 : vector<16xf32> to vector<16xf32>
    tpu.vector_store %arg10[%swap3A_104], %swap3A_107 {strides = array<i32>} : memref<640xf32, #tpu.memory_space<vmem>>, vector<16xf32>,
    %broadcast_in_dim3A_108 = arith.constant 0.000000e+00 : f32
    %broadcast_in_dim3A_109 = vector.broadcast %broadcast_in_dim3A_108 : f32 to vector<16xf32>
    %swap3A_110 = arith.constant 144 : index
    %swap3A_111 = tpu.vector_load %arg10[%swap3A_110] {strides = array<i32>} : memref<640xf32, #tpu.memory_space<vmem>>, vector<16xf32>,
    %swap3A_112 = vector.shape_cast %swap3A_111 : vector<16xf32> to vector<16xf32>
    %swap3A_113 = vector.shape_cast %broadcast_in_dim3A_109 : vector<16xf32> to vector<16xf32>
    tpu.vector_store %arg10[%swap3A_110], %swap3A_113 {strides = array<i32>} : memref<640xf32, #tpu.memory_space<vmem>>, vector<16xf32>,
    %broadcast_in_dim3A_114 = arith.constant 0.000000e+00 : f32
    %broadcast_in_dim3A_115 = vector.broadcast %broadcast_in_dim3A_114 : f32 to vector<16xf32>
    %swap3A_116 = arith.constant 160 : index
    %swap3A_117 = tpu.vector_load %arg10[%swap3A_116] {strides = array<i32>} : memref<640xf32, #tpu.memory_space<vmem>>, vector<16xf32>,
    %swap3A_118 = vector.shape_cast %swap3A_117 : vector<16xf32> to vector<16xf32>
    %swap3A_119 = vector.shape_cast %broadcast_in_dim3A_115 : vector<16xf32> to vector<16xf32>
    tpu.vector_store %arg10[%swap3A_116], %swap3A_119 {strides = array<i32>} : memref<640xf32, #tpu.memory_space<vmem>>, vector<16xf32>,
    %broadcast_in_dim3A_120 = arith.constant 0.000000e+00 : f32
    %broadcast_in_dim3A_121 = vector.broadcast %broadcast_in_dim3A_120 : f32 to vector<16xf32>
    %swap3A_122 = arith.constant 176 : index
    %swap3A_123 = tpu.vector_load %arg10[%swap3A_122] {strides = array<i32>} : memref<640xf32, #tpu.memory_space<vmem>>, vector<16xf32>,
    %swap3A_124 = vector.shape_cast %swap3A_123 : vector<16xf32> to vector<16xf32>
    %swap3A_125 = vector.shape_cast %broadcast_in_dim3A_121 : vector<16xf32> to vector<16xf32>
    tpu.vector_store %arg10[%swap3A_122], %swap3A_125 {strides = array<i32>} : memref<640xf32, #tpu.memory_space<vmem>>, vector<16xf32>,
    %broadcast_in_dim3A_126 = arith.constant 0.000000e+00 : f32
    %broadcast_in_dim3A_127 = vector.broadcast %broadcast_in_dim3A_126 : f32 to vector<16xf32>
    %swap3A_128 = arith.constant 192 : index
    %swap3A_129 = tpu.vector_load %arg10[%swap3A_128] {strides = array<i32>} : memref<640xf32, #tpu.memory_space<vmem>>, vector<16xf32>,
    %swap3A_130 = vector.shape_cast %swap3A_129 : vector<16xf32> to vector<16xf32>
    %swap3A_131 = vector.shape_cast %broadcast_in_dim3A_127 : vector<16xf32> to vector<16xf32>
    tpu.vector_store %arg10[%swap3A_128], %swap3A_131 {strides = array<i32>} : memref<640xf32, #tpu.memory_space<vmem>>, vector<16xf32>,
    %broadcast_in_dim3A_132 = arith.constant 0.000000e+00 : f32
    %broadcast_in_dim3A_133 = vector.broadcast %broadcast_in_dim3A_132 : f32 to vector<16xf32>
    %swap3A_134 = arith.constant 208 : index
    %swap3A_135 = tpu.vector_load %arg10[%swap3A_134] {strides = array<i32>} : memref<640xf32, #tpu.memory_space<vmem>>, vector<16xf32>,
    %swap3A_136 = vector.shape_cast %swap3A_135 : vector<16xf32> to vector<16xf32>
    %swap3A_137 = vector.shape_cast %broadcast_in_dim3A_133 : vector<16xf32> to vector<16xf32>
    tpu.vector_store %arg10[%swap3A_134], %swap3A_137 {strides = array<i32>} : memref<640xf32, #tpu.memory_space<vmem>>, vector<16xf32>,
    %broadcast_in_dim3A_138 = arith.constant 0.000000e+00 : f32
    %broadcast_in_dim3A_139 = vector.broadcast %broadcast_in_dim3A_138 : f32 to vector<16xf32>
    %swap3A_140 = arith.constant 224 : index
    %swap3A_141 = tpu.vector_load %arg10[%swap3A_140] {strides = array<i32>} : memref<640xf32, #tpu.memory_space<vmem>>, vector<16xf32>,
    %swap3A_142 = vector.shape_cast %swap3A_141 : vector<16xf32> to vector<16xf32>
    %swap3A_143 = vector.shape_cast %broadcast_in_dim3A_139 : vector<16xf32> to vector<16xf32>
    tpu.vector_store %arg10[%swap3A_140], %swap3A_143 {strides = array<i32>} : memref<640xf32, #tpu.memory_space<vmem>>, vector<16xf32>,
    %broadcast_in_dim3A_144 = arith.constant 0.000000e+00 : f32
    %broadcast_in_dim3A_145 = vector.broadcast %broadcast_in_dim3A_144 : f32 to vector<16xf32>
    %swap3A_146 = arith.constant 240 : index
    %swap3A_147 = tpu.vector_load %arg10[%swap3A_146] {strides = array<i32>} : memref<640xf32, #tpu.memory_space<vmem>>, vector<16xf32>,
    %swap3A_148 = vector.shape_cast %swap3A_147 : vector<16xf32> to vector<16xf32>
    %swap3A_149 = vector.shape_cast %broadcast_in_dim3A_145 : vector<16xf32> to vector<16xf32>
    tpu.vector_store %arg10[%swap3A_146], %swap3A_149 {strides = array<i32>} : memref<640xf32, #tpu.memory_space<vmem>>, vector<16xf32>,
    %broadcast_in_dim3A_150 = arith.constant 0.000000e+00 : f32
    %broadcast_in_dim3A_151 = vector.broadcast %broadcast_in_dim3A_150 : f32 to vector<16xf32>
    %swap3A_152 = arith.constant 256 : index
    %swap3A_153 = tpu.vector_load %arg10[%swap3A_152] {strides = array<i32>} : memref<640xf32, #tpu.memory_space<vmem>>, vector<16xf32>,
    %swap3A_154 = vector.shape_cast %swap3A_153 : vector<16xf32> to vector<16xf32>
    %swap3A_155 = vector.shape_cast %broadcast_in_dim3A_151 : vector<16xf32> to vector<16xf32>
    tpu.vector_store %arg10[%swap3A_152], %swap3A_155 {strides = array<i32>} : memref<640xf32, #tpu.memory_space<vmem>>, vector<16xf32>,
    %broadcast_in_dim3A_156 = arith.constant 0.000000e+00 : f32
    %broadcast_in_dim3A_157 = vector.broadcast %broadcast_in_dim3A_156 : f32 to vector<16xf32>
    %swap3A_158 = arith.constant 272 : index
    %swap3A_159 = tpu.vector_load %arg10[%swap3A_158] {strides = array<i32>} : memref<640xf32, #tpu.memory_space<vmem>>, vector<16xf32>,
    %swap3A_160 = vector.shape_cast %swap3A_159 : vector<16xf32> to vector<16xf32>
    %swap3A_161 = vector.shape_cast %broadcast_in_dim3A_157 : vector<16xf32> to vector<16xf32>
    tpu.vector_store %arg10[%swap3A_158], %swap3A_161 {strides = array<i32>} : memref<640xf32, #tpu.memory_space<vmem>>, vector<16xf32>,
    %broadcast_in_dim3A_162 = arith.constant 0.000000e+00 : f32
    %broadcast_in_dim3A_163 = vector.broadcast %broadcast_in_dim3A_162 : f32 to vector<16xf32>
    %swap3A_164 = arith.constant 288 : index
    %swap3A_165 = tpu.vector_load %arg10[%swap3A_164] {strides = array<i32>} : memref<640xf32, #tpu.memory_space<vmem>>, vector<16xf32>,
    %swap3A_166 = vector.shape_cast %swap3A_165 : vector<16xf32> to vector<16xf32>
    %swap3A_167 = vector.shape_cast %broadcast_in_dim3A_163 : vector<16xf32> to vector<16xf32>
    tpu.vector_store %arg10[%swap3A_164], %swap3A_167 {strides = array<i32>} : memref<640xf32, #tpu.memory_space<vmem>>, vector<16xf32>,
    %broadcast_in_dim3A_168 = arith.constant 0.000000e+00 : f32
    %broadcast_in_dim3A_169 = vector.broadcast %broadcast_in_dim3A_168 : f32 to vector<16xf32>
    %swap3A_170 = arith.constant 304 : index
    %swap3A_171 = tpu.vector_load %arg10[%swap3A_170] {strides = array<i32>} : memref<640xf32, #tpu.memory_space<vmem>>, vector<16xf32>,
    %swap3A_172 = vector.shape_cast %swap3A_171 : vector<16xf32> to vector<16xf32>
    %swap3A_173 = vector.shape_cast %broadcast_in_dim3A_169 : vector<16xf32> to vector<16xf32>
    tpu.vector_store %arg10[%swap3A_170], %swap3A_173 {strides = array<i32>} : memref<640xf32, #tpu.memory_space<vmem>>, vector<16xf32>,
    %broadcast_in_dim3A_174 = arith.constant 0.000000e+00 : f32
    %broadcast_in_dim3A_175 = vector.broadcast %broadcast_in_dim3A_174 : f32 to vector<16xf32>
    %swap3A_176 = arith.constant 320 : index
    %swap3A_177 = tpu.vector_load %arg10[%swap3A_176] {strides = array<i32>} : memref<640xf32, #tpu.memory_space<vmem>>, vector<16xf32>,
    %swap3A_178 = vector.shape_cast %swap3A_177 : vector<16xf32> to vector<16xf32>
    %swap3A_179 = vector.shape_cast %broadcast_in_dim3A_175 : vector<16xf32> to vector<16xf32>
    tpu.vector_store %arg10[%swap3A_176], %swap3A_179 {strides = array<i32>} : memref<640xf32, #tpu.memory_space<vmem>>, vector<16xf32>,
    %broadcast_in_dim3A_180 = arith.constant 0.000000e+00 : f32
    %broadcast_in_dim3A_181 = vector.broadcast %broadcast_in_dim3A_180 : f32 to vector<16xf32>
    %swap3A_182 = arith.constant 336 : index
    %swap3A_183 = tpu.vector_load %arg10[%swap3A_182] {strides = array<i32>} : memref<640xf32, #tpu.memory_space<vmem>>, vector<16xf32>,
    %swap3A_184 = vector.shape_cast %swap3A_183 : vector<16xf32> to vector<16xf32>
    %swap3A_185 = vector.shape_cast %broadcast_in_dim3A_181 : vector<16xf32> to vector<16xf32>
    tpu.vector_store %arg10[%swap3A_182], %swap3A_185 {strides = array<i32>} : memref<640xf32, #tpu.memory_space<vmem>>, vector<16xf32>,
    %broadcast_in_dim3A_186 = arith.constant 0.000000e+00 : f32
    %broadcast_in_dim3A_187 = vector.broadcast %broadcast_in_dim3A_186 : f32 to vector<16xf32>
    %swap3A_188 = arith.constant 352 : index
    %swap3A_189 = tpu.vector_load %arg10[%swap3A_188] {strides = array<i32>} : memref<640xf32, #tpu.memory_space<vmem>>, vector<16xf32>,
    %swap3A_190 = vector.shape_cast %swap3A_189 : vector<16xf32> to vector<16xf32>
    %swap3A_191 = vector.shape_cast %broadcast_in_dim3A_187 : vector<16xf32> to vector<16xf32>
    tpu.vector_store %arg10[%swap3A_188], %swap3A_191 {strides = array<i32>} : memref<640xf32, #tpu.memory_space<vmem>>, vector<16xf32>,
    %broadcast_in_dim3A_192 = arith.constant 0.000000e+00 : f32
    %broadcast_in_dim3A_193 = vector.broadcast %broadcast_in_dim3A_192 : f32 to vector<16xf32>
    %swap3A_194 = arith.constant 368 : index
    %swap3A_195 = tpu.vector_load %arg10[%swap3A_194] {strides = array<i32>} : memref<640xf32, #tpu.memory_space<vmem>>, vector<16xf32>,
    %swap3A_196 = vector.shape_cast %swap3A_195 : vector<16xf32> to vector<16xf32>
    %swap3A_197 = vector.shape_cast %broadcast_in_dim3A_193 : vector<16xf32> to vector<16xf32>
    tpu.vector_store %arg10[%swap3A_194], %swap3A_197 {strides = array<i32>} : memref<640xf32, #tpu.memory_space<vmem>>, vector<16xf32>,
    %broadcast_in_dim3A_198 = arith.constant 0.000000e+00 : f32
    %broadcast_in_dim3A_199 = vector.broadcast %broadcast_in_dim3A_198 : f32 to vector<16xf32>
    %swap3A_200 = arith.constant 384 : index
    %swap3A_201 = tpu.vector_load %arg10[%swap3A_200] {strides = array<i32>} : memref<640xf32, #tpu.memory_space<vmem>>, vector<16xf32>,
    %swap3A_202 = vector.shape_cast %swap3A_201 : vector<16xf32> to vector<16xf32>
    %swap3A_203 = vector.shape_cast %broadcast_in_dim3A_199 : vector<16xf32> to vector<16xf32>
    tpu.vector_store %arg10[%swap3A_200], %swap3A_203 {strides = array<i32>} : memref<640xf32, #tpu.memory_space<vmem>>, vector<16xf32>,
    %broadcast_in_dim3A_204 = arith.constant 0.000000e+00 : f32
    %broadcast_in_dim3A_205 = vector.broadcast %broadcast_in_dim3A_204 : f32 to vector<16xf32>
    %swap3A_206 = arith.constant 400 : index
    %swap3A_207 = tpu.vector_load %arg10[%swap3A_206] {strides = array<i32>} : memref<640xf32, #tpu.memory_space<vmem>>, vector<16xf32>,
    %swap3A_208 = vector.shape_cast %swap3A_207 : vector<16xf32> to vector<16xf32>
    %swap3A_209 = vector.shape_cast %broadcast_in_dim3A_205 : vector<16xf32> to vector<16xf32>
    tpu.vector_store %arg10[%swap3A_206], %swap3A_209 {strides = array<i32>} : memref<640xf32, #tpu.memory_space<vmem>>, vector<16xf32>,
    %broadcast_in_dim3A_210 = arith.constant 0.000000e+00 : f32
    %broadcast_in_dim3A_211 = vector.broadcast %broadcast_in_dim3A_210 : f32 to vector<16xf32>
    %swap3A_212 = arith.constant 416 : index
    %swap3A_213 = tpu.vector_load %arg10[%swap3A_212] {strides = array<i32>} : memref<640xf32, #tpu.memory_space<vmem>>, vector<16xf32>,
    %swap3A_214 = vector.shape_cast %swap3A_213 : vector<16xf32> to vector<16xf32>
    %swap3A_215 = vector.shape_cast %broadcast_in_dim3A_211 : vector<16xf32> to vector<16xf32>
    tpu.vector_store %arg10[%swap3A_212], %swap3A_215 {strides = array<i32>} : memref<640xf32, #tpu.memory_space<vmem>>, vector<16xf32>,
    %broadcast_in_dim3A_216 = arith.constant 0.000000e+00 : f32
    %broadcast_in_dim3A_217 = vector.broadcast %broadcast_in_dim3A_216 : f32 to vector<16xf32>
    %swap3A_218 = arith.constant 432 : index
    %swap3A_219 = tpu.vector_load %arg10[%swap3A_218] {strides = array<i32>} : memref<640xf32, #tpu.memory_space<vmem>>, vector<16xf32>,
    %swap3A_220 = vector.shape_cast %swap3A_219 : vector<16xf32> to vector<16xf32>
    %swap3A_221 = vector.shape_cast %broadcast_in_dim3A_217 : vector<16xf32> to vector<16xf32>
    tpu.vector_store %arg10[%swap3A_218], %swap3A_221 {strides = array<i32>} : memref<640xf32, #tpu.memory_space<vmem>>, vector<16xf32>,
    %broadcast_in_dim3A_222 = arith.constant 0.000000e+00 : f32
    %broadcast_in_dim3A_223 = vector.broadcast %broadcast_in_dim3A_222 : f32 to vector<16xf32>
    %swap3A_224 = arith.constant 448 : index
    %swap3A_225 = tpu.vector_load %arg10[%swap3A_224] {strides = array<i32>} : memref<640xf32, #tpu.memory_space<vmem>>, vector<16xf32>,
    %swap3A_226 = vector.shape_cast %swap3A_225 : vector<16xf32> to vector<16xf32>
    %swap3A_227 = vector.shape_cast %broadcast_in_dim3A_223 : vector<16xf32> to vector<16xf32>
    tpu.vector_store %arg10[%swap3A_224], %swap3A_227 {strides = array<i32>} : memref<640xf32, #tpu.memory_space<vmem>>, vector<16xf32>,
    %broadcast_in_dim3A_228 = arith.constant 0.000000e+00 : f32
    %broadcast_in_dim3A_229 = vector.broadcast %broadcast_in_dim3A_228 : f32 to vector<16xf32>
    %swap3A_230 = arith.constant 464 : index
    %swap3A_231 = tpu.vector_load %arg10[%swap3A_230] {strides = array<i32>} : memref<640xf32, #tpu.memory_space<vmem>>, vector<16xf32>,
    %swap3A_232 = vector.shape_cast %swap3A_231 : vector<16xf32> to vector<16xf32>
    %swap3A_233 = vector.shape_cast %broadcast_in_dim3A_229 : vector<16xf32> to vector<16xf32>
    tpu.vector_store %arg10[%swap3A_230], %swap3A_233 {strides = array<i32>} : memref<640xf32, #tpu.memory_space<vmem>>, vector<16xf32>,
    %broadcast_in_dim3A_234 = arith.constant 0.000000e+00 : f32
    %broadcast_in_dim3A_235 = vector.broadcast %broadcast_in_dim3A_234 : f32 to vector<16xf32>
    %swap3A_236 = arith.constant 480 : index
    %swap3A_237 = tpu.vector_load %arg10[%swap3A_236] {strides = array<i32>} : memref<640xf32, #tpu.memory_space<vmem>>, vector<16xf32>,
    %swap3A_238 = vector.shape_cast %swap3A_237 : vector<16xf32> to vector<16xf32>
    %swap3A_239 = vector.shape_cast %broadcast_in_dim3A_235 : vector<16xf32> to vector<16xf32>
    tpu.vector_store %arg10[%swap3A_236], %swap3A_239 {strides = array<i32>} : memref<640xf32, #tpu.memory_space<vmem>>, vector<16xf32>,
    %broadcast_in_dim3A_240 = arith.constant 0.000000e+00 : f32
    %broadcast_in_dim3A_241 = vector.broadcast %broadcast_in_dim3A_240 : f32 to vector<16xf32>
    %swap3A_242 = arith.constant 496 : index
    %swap3A_243 = tpu.vector_load %arg10[%swap3A_242] {strides = array<i32>} : memref<640xf32, #tpu.memory_space<vmem>>, vector<16xf32>,
    %swap3A_244 = vector.shape_cast %swap3A_243 : vector<16xf32> to vector<16xf32>
    %swap3A_245 = vector.shape_cast %broadcast_in_dim3A_241 : vector<16xf32> to vector<16xf32>
    tpu.vector_store %arg10[%swap3A_242], %swap3A_245 {strides = array<i32>} : memref<640xf32, #tpu.memory_space<vmem>>, vector<16xf32>,
    %broadcast_in_dim3A_246 = arith.constant 0.000000e+00 : f32
    %broadcast_in_dim3A_247 = vector.broadcast %broadcast_in_dim3A_246 : f32 to vector<16xf32>
    %swap3A_248 = arith.constant 512 : index
    %swap3A_249 = tpu.vector_load %arg10[%swap3A_248] {strides = array<i32>} : memref<640xf32, #tpu.memory_space<vmem>>, vector<16xf32>,
    %swap3A_250 = vector.shape_cast %swap3A_249 : vector<16xf32> to vector<16xf32>
    %swap3A_251 = vector.shape_cast %broadcast_in_dim3A_247 : vector<16xf32> to vector<16xf32>
    tpu.vector_store %arg10[%swap3A_248], %swap3A_251 {strides = array<i32>} : memref<640xf32, #tpu.memory_space<vmem>>, vector<16xf32>,
    %broadcast_in_dim3A_252 = arith.constant 0.000000e+00 : f32
    %broadcast_in_dim3A_253 = vector.broadcast %broadcast_in_dim3A_252 : f32 to vector<16xf32>
    %swap3A_254 = arith.constant 528 : index
    %swap3A_255 = tpu.vector_load %arg10[%swap3A_254] {strides = array<i32>} : memref<640xf32, #tpu.memory_space<vmem>>, vector<16xf32>,
    %swap3A_256 = vector.shape_cast %swap3A_255 : vector<16xf32> to vector<16xf32>
    %swap3A_257 = vector.shape_cast %broadcast_in_dim3A_253 : vector<16xf32> to vector<16xf32>
    tpu.vector_store %arg10[%swap3A_254], %swap3A_257 {strides = array<i32>} : memref<640xf32, #tpu.memory_space<vmem>>, vector<16xf32>,
    %broadcast_in_dim3A_258 = arith.constant 0.000000e+00 : f32
    %broadcast_in_dim3A_259 = vector.broadcast %broadcast_in_dim3A_258 : f32 to vector<16xf32>
    %swap3A_260 = arith.constant 544 : index
    %swap3A_261 = tpu.vector_load %arg10[%swap3A_260] {strides = array<i32>} : memref<640xf32, #tpu.memory_space<vmem>>, vector<16xf32>,
    %swap3A_262 = vector.shape_cast %swap3A_261 : vector<16xf32> to vector<16xf32>
    %swap3A_263 = vector.shape_cast %broadcast_in_dim3A_259 : vector<16xf32> to vector<16xf32>
    tpu.vector_store %arg10[%swap3A_260], %swap3A_263 {strides = array<i32>} : memref<640xf32, #tpu.memory_space<vmem>>, vector<16xf32>,
    %broadcast_in_dim3A_264 = arith.constant 0.000000e+00 : f32
    %broadcast_in_dim3A_265 = vector.broadcast %broadcast_in_dim3A_264 : f32 to vector<16xf32>
    %swap3A_266 = arith.constant 560 : index
    %swap3A_267 = tpu.vector_load %arg10[%swap3A_266] {strides = array<i32>} : memref<640xf32, #tpu.memory_space<vmem>>, vector<16xf32>,
    %swap3A_268 = vector.shape_cast %swap3A_267 : vector<16xf32> to vector<16xf32>
    %swap3A_269 = vector.shape_cast %broadcast_in_dim3A_265 : vector<16xf32> to vector<16xf32>
    tpu.vector_store %arg10[%swap3A_266], %swap3A_269 {strides = array<i32>} : memref<640xf32, #tpu.memory_space<vmem>>, vector<16xf32>,
    %broadcast_in_dim3A_270 = arith.constant 0.000000e+00 : f32
    %broadcast_in_dim3A_271 = vector.broadcast %broadcast_in_dim3A_270 : f32 to vector<16xf32>
    %swap3A_272 = arith.constant 576 : index
    %swap3A_273 = tpu.vector_load %arg10[%swap3A_272] {strides = array<i32>} : memref<640xf32, #tpu.memory_space<vmem>>, vector<16xf32>,
    %swap3A_274 = vector.shape_cast %swap3A_273 : vector<16xf32> to vector<16xf32>
    %swap3A_275 = vector.shape_cast %broadcast_in_dim3A_271 : vector<16xf32> to vector<16xf32>
    tpu.vector_store %arg10[%swap3A_272], %swap3A_275 {strides = array<i32>} : memref<640xf32, #tpu.memory_space<vmem>>, vector<16xf32>,
    %broadcast_in_dim3A_276 = arith.constant 0.000000e+00 : f32
    %broadcast_in_dim3A_277 = vector.broadcast %broadcast_in_dim3A_276 : f32 to vector<16xf32>
    %swap3A_278 = arith.constant 592 : index
    %swap3A_279 = tpu.vector_load %arg10[%swap3A_278] {strides = array<i32>} : memref<640xf32, #tpu.memory_space<vmem>>, vector<16xf32>,
    %swap3A_280 = vector.shape_cast %swap3A_279 : vector<16xf32> to vector<16xf32>
    %swap3A_281 = vector.shape_cast %broadcast_in_dim3A_277 : vector<16xf32> to vector<16xf32>
    tpu.vector_store %arg10[%swap3A_278], %swap3A_281 {strides = array<i32>} : memref<640xf32, #tpu.memory_space<vmem>>, vector<16xf32>,
    %broadcast_in_dim3A_282 = arith.constant 0.000000e+00 : f32
    %broadcast_in_dim3A_283 = vector.broadcast %broadcast_in_dim3A_282 : f32 to vector<16xf32>
    %swap3A_284 = arith.constant 608 : index
    %swap3A_285 = tpu.vector_load %arg10[%swap3A_284] {strides = array<i32>} : memref<640xf32, #tpu.memory_space<vmem>>, vector<16xf32>,
    %swap3A_286 = vector.shape_cast %swap3A_285 : vector<16xf32> to vector<16xf32>
    %swap3A_287 = vector.shape_cast %broadcast_in_dim3A_283 : vector<16xf32> to vector<16xf32>
    tpu.vector_store %arg10[%swap3A_284], %swap3A_287 {strides = array<i32>} : memref<640xf32, #tpu.memory_space<vmem>>, vector<16xf32>,
    %broadcast_in_dim3A_288 = arith.constant 0.000000e+00 : f32
    %broadcast_in_dim3A_289 = vector.broadcast %broadcast_in_dim3A_288 : f32 to vector<16xf32>
    %swap3A_290 = arith.constant 624 : index
    %swap3A_291 = tpu.vector_load %arg10[%swap3A_290] {strides = array<i32>} : memref<640xf32, #tpu.memory_space<vmem>>, vector<16xf32>,
    %swap3A_292 = vector.shape_cast %swap3A_291 : vector<16xf32> to vector<16xf32>
    %swap3A_293 = vector.shape_cast %broadcast_in_dim3A_289 : vector<16xf32> to vector<16xf32>
    tpu.vector_store %arg10[%swap3A_290], %swap3A_293 {strides = array<i32>} : memref<640xf32, #tpu.memory_space<vmem>>, vector<16xf32>,
    %scan3A_294 = arith.constant 0 : i32
    %scan3A_295 = arith.constant 0 : i32
    %scan3A_296 = arith.constant 5 : i32
    %scan3A_297 = arith.addi %scan3A_295, %scan3A_296 : i32
    %scan3A_298 = arith.constant 1 : i32
    scf.for %scan3A_328 = %scan3A_295 to %scan3A_297 step %scan3A_298  : i32 {
      %mul3A_329 = arith.constant 128 : i32
      %mul3A_330 = arith.muli %scan3A_328, %mul3A_329 : i32
      %add3A_331 = arith.addi %mul3A_2, %mul3A_330 : i32
      "tpu.region"() ({
        %run_scoped3A = tpu.sem_alloc : memref<!tpu.dma_semaphore, #tpu.memory_space<semaphore_mem>>
        %dma_start3A = arith.constant 0 : i32
        %dma_start3A_332 = tpu.memref_slice %arg11[%add3A_331, %dma_start3A] : memref<10240x128xf32, #tpu.memory_space<vmem_shared>> -> memref<128x128xf32, #tpu.memory_space<vmem_shared>>
        %dma_start3A_333 = arith.constant 0 : i32
        %dma_start3A_334 = tpu.memref_slice %arg11[%add3A_331, %dma_start3A_333] : memref<10240x128xf32, #tpu.memory_space<vmem_shared>> -> memref<128x128xf32, #tpu.memory_space<vmem_shared>>
        tpu.enqueue_dma source(%arg8 : memref<128x128xf32, #tpu.memory_space<vmem>>) target(%dma_start3A_334 : memref<128x128xf32, #tpu.memory_space<vmem_shared>>) target_semaphore(%run_scoped3A : memref<!tpu.dma_semaphore, #tpu.memory_space<semaphore_mem>>)
        %dma_wait3A = arith.constant 0 : i32
        %dma_wait3A_335 = tpu.memref_slice %arg11[%add3A_331, %dma_wait3A] : memref<10240x128xf32, #tpu.memory_space<vmem_shared>> -> memref<128x128xf32, #tpu.memory_space<vmem_shared>>
        %dma_wait3A_336 = arith.constant 0 : i32
        %dma_wait3A_337 = tpu.memref_slice %arg11[%add3A_331, %dma_wait3A_336] : memref<10240x128xf32, #tpu.memory_space<vmem_shared>> -> memref<128x128xf32, #tpu.memory_space<vmem_shared>>
        tpu.wait_dma2 semaphore(%run_scoped3A : memref<!tpu.dma_semaphore, #tpu.memory_space<semaphore_mem>>) src(%arg8 : memref<128x128xf32, #tpu.memory_space<vmem>>) dst(%dma_wait3A_337 : memref<128x128xf32, #tpu.memory_space<vmem_shared>>)
        tpu.yield
      }) : () -> ()
    }
    %scan3A_299 = arith.constant 5 : i32
    "tpu.region"() ({
      %run_scoped3A = tpu.sem_alloc : memref<!tpu.dma_semaphore, #tpu.memory_space<semaphore_mem>>
      %dma_start3A = tpu.memref_slice %arg12[%mul3A_2] : memref<10240xf32, #tpu.memory_space<vmem_shared>> -> memref<640xf32, #tpu.memory_space<vmem_shared>>
      %dma_start3A_328 = tpu.memref_slice %arg12[%mul3A_2] : memref<10240xf32, #tpu.memory_space<vmem_shared>> -> memref<640xf32, #tpu.memory_space<vmem_shared>>
      tpu.enqueue_dma source(%arg10 : memref<640xf32, #tpu.memory_space<vmem>>) target(%dma_start3A_328 : memref<640xf32, #tpu.memory_space<vmem_shared>>) target_semaphore(%run_scoped3A : memref<!tpu.dma_semaphore, #tpu.memory_space<semaphore_mem>>)
      %dma_wait3A = tpu.memref_slice %arg12[%mul3A_2] : memref<10240xf32, #tpu.memory_space<vmem_shared>> -> memref<640xf32, #tpu.memory_space<vmem_shared>>
      %dma_wait3A_329 = tpu.memref_slice %arg12[%mul3A_2] : memref<10240xf32, #tpu.memory_space<vmem_shared>> -> memref<640xf32, #tpu.memory_space<vmem_shared>>
      tpu.wait_dma2 semaphore(%run_scoped3A : memref<!tpu.dma_semaphore, #tpu.memory_space<semaphore_mem>>) src(%arg10 : memref<640xf32, #tpu.memory_space<vmem>>) dst(%dma_wait3A_329 : memref<640xf32, #tpu.memory_space<vmem_shared>>)
      tpu.yield
    }) : () -> ()
    "tpu.region"() ({
      %run_scoped3A = tpu.sem_alloc : memref<!tpu.dma_semaphore, #tpu.memory_space<semaphore_mem>>
      %dma_start3A = arith.constant 0 : i32
      %dma_start3A_328 = arith.constant 0 : i32
      %dma_start3A_329 = tpu.memref_slice %arg3[%add3A, %dma_start3A, %dma_start3A_328] : memref<32x80x128xi32, #tpu.memory_space<hbm>> -> memref<1x80x128xi32, #tpu.memory_space<hbm>>
      %dma_start3A_330 = tpu.memref_squeeze %dma_start3A_329 : memref<1x80x128xi32, #tpu.memory_space<hbm>> -> memref<80x128xi32, #tpu.memory_space<hbm>>
      %dma_start3A_331 = arith.constant 0 : i32
      %dma_start3A_332 = arith.constant 0 : i32
      %dma_start3A_333 = tpu.memref_slice %arg3[%add3A, %dma_start3A_331, %dma_start3A_332] : memref<32x80x128xi32, #tpu.memory_space<hbm>> -> memref<1x80x128xi32, #tpu.memory_space<hbm>>
      %dma_start3A_334 = tpu.memref_squeeze %dma_start3A_333 : memref<1x80x128xi32, #tpu.memory_space<hbm>> -> memref<80x128xi32, #tpu.memory_space<hbm>>
      tpu.enqueue_dma source(%dma_start3A_334 : memref<80x128xi32, #tpu.memory_space<hbm>>) target(%arg7 : memref<80x128xi32, #tpu.memory_space<vmem>>) target_semaphore(%run_scoped3A : memref<!tpu.dma_semaphore, #tpu.memory_space<semaphore_mem>>)
      %dma_wait3A = arith.constant 0 : i32
      %dma_wait3A_335 = arith.constant 0 : i32
      %dma_wait3A_336 = tpu.memref_slice %arg3[%add3A, %dma_wait3A, %dma_wait3A_335] : memref<32x80x128xi32, #tpu.memory_space<hbm>> -> memref<1x80x128xi32, #tpu.memory_space<hbm>>
      %dma_wait3A_337 = tpu.memref_squeeze %dma_wait3A_336 : memref<1x80x128xi32, #tpu.memory_space<hbm>> -> memref<80x128xi32, #tpu.memory_space<hbm>>
      %dma_wait3A_338 = arith.constant 0 : i32
      %dma_wait3A_339 = arith.constant 0 : i32
      %dma_wait3A_340 = tpu.memref_slice %arg3[%add3A, %dma_wait3A_338, %dma_wait3A_339] : memref<32x80x128xi32, #tpu.memory_space<hbm>> -> memref<1x80x128xi32, #tpu.memory_space<hbm>>
      %dma_wait3A_341 = tpu.memref_squeeze %dma_wait3A_340 : memref<1x80x128xi32, #tpu.memory_space<hbm>> -> memref<80x128xi32, #tpu.memory_space<hbm>>
      tpu.wait_dma2 semaphore(%run_scoped3A : memref<!tpu.dma_semaphore, #tpu.memory_space<semaphore_mem>>) src(%dma_wait3A_341 : memref<80x128xi32, #tpu.memory_space<hbm>>) dst(%arg7 : memref<80x128xi32, #tpu.memory_space<vmem>>)
      tpu.yield
    }) : () -> ()
    %scan3A_300 = arith.constant 0 : i32
    %scan3A_301 = arith.constant 0 : i32
    %scan3A_302 = arith.constant 80 : i32
    %scan3A_303 = arith.addi %scan3A_301, %scan3A_302 : i32
    %scan3A_304 = arith.constant 1 : i32
    scf.for %scan3A_328 = %scan3A_301 to %scan3A_303 step %scan3A_304  : i32 {
      %scan3A_329 = arith.constant 0 : i32
      %scan3A_330 = arith.constant 8 : i32
      %scan3A_331 = arith.addi %scan3A_329, %scan3A_330 : i32
      %scan3A_332 = arith.constant 1 : i32
      scf.for %scan3A_334 = %scan3A_329 to %scan3A_331 step %scan3A_332  : i32 {
        %mul3A_335 = arith.constant 16 : i32
        %mul3A_336 = arith.muli %scan3A_334, %mul3A_335 : i32
        %get3A = arith.index_cast %scan3A_328 : i32 to index
        %get3A_337 = arith.index_cast %mul3A_336 : i32 to index
        %get3A_338 = tpu.vector_load %arg7[%get3A, %get3A_337] {strides = array<i32>} : memref<80x128xi32, #tpu.memory_space<vmem>>, vector<1x16xi32>,
        %get3A_339 = vector.shape_cast %get3A_338 : vector<1x16xi32> to vector<16xi32>
        %broadcast_in_dim3A_340 = arith.constant 14 : i32
        %broadcast_in_dim3A_341 = vector.broadcast %broadcast_in_dim3A_340 : i32 to vector<16xi32>
        %shift_right_logical3A = arith.shrui %get3A_339, %broadcast_in_dim3A_341 : vector<16xi32>
        %mul3A_342 = arith.constant 16 : i32
        %mul3A_343 = arith.muli %scan3A_334, %mul3A_342 : i32
        %swap3A_344 = arith.index_cast %scan3A_328 : i32 to index
        %swap3A_345 = arith.index_cast %mul3A_343 : i32 to index
        %swap3A_346 = tpu.vector_load %arg6[%swap3A_344, %swap3A_345] {strides = array<i32>} : memref<80x128xi32, #tpu.memory_space<vmem>>, vector<1x16xi32>,
        %swap3A_347 = vector.shape_cast %swap3A_346 : vector<1x16xi32> to vector<16xi32>
        %swap3A_348 = vector.shape_cast %shift_right_logical3A : vector<16xi32> to vector<1x16xi32>
        tpu.vector_store %arg6[%swap3A_344, %swap3A_345], %swap3A_348 {strides = array<i32>} : memref<80x128xi32, #tpu.memory_space<vmem>>, vector<1x16xi32>,
        %broadcast_in_dim3A_349 = arith.constant 16383 : i32
        %broadcast_in_dim3A_350 = vector.broadcast %broadcast_in_dim3A_349 : i32 to vector<16xi32>
        %and3A = arith.andi %get3A_339, %broadcast_in_dim3A_350 : vector<16xi32>
        %mul3A_351 = arith.constant 16 : i32
        %mul3A_352 = arith.muli %scan3A_334, %mul3A_351 : i32
        %swap3A_353 = arith.index_cast %scan3A_328 : i32 to index
        %swap3A_354 = arith.index_cast %mul3A_352 : i32 to index
        %swap3A_355 = tpu.vector_load %arg7[%swap3A_353, %swap3A_354] {strides = array<i32>} : memref<80x128xi32, #tpu.memory_space<vmem>>, vector<1x16xi32>,
        %swap3A_356 = vector.shape_cast %swap3A_355 : vector<1x16xi32> to vector<16xi32>
        %swap3A_357 = vector.shape_cast %and3A : vector<16xi32> to vector<1x16xi32>
        tpu.vector_store %arg7[%swap3A_353, %swap3A_354], %swap3A_357 {strides = array<i32>} : memref<80x128xi32, #tpu.memory_space<vmem>>, vector<1x16xi32>,
      }
      %scan3A_333 = arith.constant 8 : i32
    }
    %scan3A_305 = arith.constant 80 : i32
    %barrier3A = arith.constant 0 : index
    tpu.barrier barrier_id(%barrier3A)
    %scan3A_306 = arith.constant 0 : i32
    %scan3A_307 = arith.constant 0 : i32
    %scan3A_308 = arith.constant 80 : i32
    %scan3A_309 = arith.addi %scan3A_307, %scan3A_308 : i32
    %scan3A_310 = arith.constant 1 : i32
    scf.for %scan3A_328 = %scan3A_307 to %scan3A_309 step %scan3A_310  : i32 {
      %dma_start3A = arith.constant 0 : i32
      %dma_start3A_329 = tpu.memref_slice %arg6[%scan3A_328, %dma_start3A] : memref<80x128xi32, #tpu.memory_space<vmem>> -> memref<1x128xi32, #tpu.memory_space<vmem>>
      %dma_start3A_330 = tpu.memref_squeeze %dma_start3A_329 : memref<1x128xi32, #tpu.memory_space<vmem>> -> memref<128xi32, #tpu.memory_space<vmem>>
      %dma_start3A_331 = arith.constant 0 : i32
      %dma_start3A_332 = arith.constant 0 : i32
      %dma_start3A_333 = tpu.memref_slice %arg2[%dma_start3A_331, %dma_start3A_332] : memref<10000x128xf32, #tpu.memory_space<hbm>> -> memref<10000x128xf32, #tpu.memory_space<hbm>>
      tpu.enqueue_indirect_dma source(%dma_start3A_333 : memref<10000x128xf32, #tpu.memory_space<hbm>>) target(%arg8 : memref<128x128xf32, #tpu.memory_space<vmem>>) offsets(%dma_start3A_330 : memref<128xi32, #tpu.memory_space<vmem>>) semaphore(%arg13 : memref<!tpu.dma_semaphore, #tpu.memory_space<semaphore_mem>>)
      %dma_wait3A = arith.constant 0 : i32
      %dma_wait3A_334 = tpu.memref_slice %arg6[%scan3A_328, %dma_wait3A] : memref<80x128xi32, #tpu.memory_space<vmem>> -> memref<1x128xi32, #tpu.memory_space<vmem>>
      %dma_wait3A_335 = tpu.memref_squeeze %dma_wait3A_334 : memref<1x128xi32, #tpu.memory_space<vmem>> -> memref<128xi32, #tpu.memory_space<vmem>>
      %dma_wait3A_336 = arith.constant 0 : i32
      %dma_wait3A_337 = arith.constant 0 : i32
      %dma_wait3A_338 = tpu.memref_slice %arg2[%dma_wait3A_336, %dma_wait3A_337] : memref<10000x128xf32, #tpu.memory_space<hbm>> -> memref<10000x128xf32, #tpu.memory_space<hbm>>
      tpu.wait_indirect_dma semaphore(%arg13 : memref<!tpu.dma_semaphore, #tpu.memory_space<semaphore_mem>>) src(%dma_wait3A_338 : memref<10000x128xf32, #tpu.memory_space<hbm>>) dst(%arg8 : memref<128x128xf32, #tpu.memory_space<vmem>>)
      %dma_start3A_339 = arith.constant 0 : i32
      %dma_start3A_340 = tpu.memref_slice %arg7[%scan3A_328, %dma_start3A_339] : memref<80x128xi32, #tpu.memory_space<vmem>> -> memref<1x128xi32, #tpu.memory_space<vmem>>
      %dma_start3A_341 = tpu.memref_squeeze %dma_start3A_340 : memref<1x128xi32, #tpu.memory_space<vmem>> -> memref<128xi32, #tpu.memory_space<vmem>>
      %dma_start3A_342 = arith.constant 0 : i32
      %dma_start3A_343 = tpu.memref_slice %arg12[%dma_start3A_342] : memref<10240xf32, #tpu.memory_space<vmem_shared>> -> memref<10240xf32, #tpu.memory_space<vmem_shared>>
      tpu.enqueue_indirect_dma source(%arg9 : memref<128xf32, #tpu.memory_space<vmem>>) target(%dma_start3A_343 : memref<10240xf32, #tpu.memory_space<vmem_shared>>) offsets(%dma_start3A_341 : memref<128xi32, #tpu.memory_space<vmem>>) semaphore(%arg14 : memref<!tpu.dma_semaphore, #tpu.memory_space<semaphore_mem>>) {add = true}
      "tpu.region"() ({
        %run_scoped3A = tpu.sem_alloc : memref<!tpu.dma_semaphore, #tpu.memory_space<semaphore_mem>>
        %dma_start3A_344 = arith.constant 0 : i32
        %dma_start3A_345 = tpu.memref_slice %arg7[%scan3A_328, %dma_start3A_344] : memref<80x128xi32, #tpu.memory_space<vmem>> -> memref<1x128xi32, #tpu.memory_space<vmem>>
        %dma_start3A_346 = tpu.memref_squeeze %dma_start3A_345 : memref<1x128xi32, #tpu.memory_space<vmem>> -> memref<128xi32, #tpu.memory_space<vmem>>
        %dma_start3A_347 = arith.constant 0 : i32
        %dma_start3A_348 = arith.constant 0 : i32
        %dma_start3A_349 = tpu.memref_slice %arg11[%dma_start3A_347, %dma_start3A_348] : memref<10240x128xf32, #tpu.memory_space<vmem_shared>> -> memref<10240x128xf32, #tpu.memory_space<vmem_shared>>
        tpu.enqueue_indirect_dma source(%arg8 : memref<128x128xf32, #tpu.memory_space<vmem>>) target(%dma_start3A_349 : memref<10240x128xf32, #tpu.memory_space<vmem_shared>>) offsets(%dma_start3A_346 : memref<128xi32, #tpu.memory_space<vmem>>) semaphore(%run_scoped3A : memref<!tpu.dma_semaphore, #tpu.memory_space<semaphore_mem>>) {add = true}
        %dma_wait3A_350 = arith.constant 0 : i32
        %dma_wait3A_351 = tpu.memref_slice %arg7[%scan3A_328, %dma_wait3A_350] : memref<80x128xi32, #tpu.memory_space<vmem>> -> memref<1x128xi32, #tpu.memory_space<vmem>>
        %dma_wait3A_352 = tpu.memref_squeeze %dma_wait3A_351 : memref<1x128xi32, #tpu.memory_space<vmem>> -> memref<128xi32, #tpu.memory_space<vmem>>
        %dma_wait3A_353 = arith.constant 0 : i32
        %dma_wait3A_354 = arith.constant 0 : i32
        %dma_wait3A_355 = tpu.memref_slice %arg11[%dma_wait3A_353, %dma_wait3A_354] : memref<10240x128xf32, #tpu.memory_space<vmem_shared>> -> memref<10240x128xf32, #tpu.memory_space<vmem_shared>>
        tpu.wait_indirect_dma semaphore(%run_scoped3A : memref<!tpu.dma_semaphore, #tpu.memory_space<semaphore_mem>>) src(%arg8 : memref<128x128xf32, #tpu.memory_space<vmem>>) dst(%dma_wait3A_355 : memref<10240x128xf32, #tpu.memory_space<vmem_shared>>)
        tpu.yield
      }) : () -> ()
    }
    %scan3A_311 = arith.constant 80 : i32
    %scan3A_312 = arith.constant 0 : i32
    %scan3A_313 = arith.constant 0 : i32
    %scan3A_314 = arith.constant 80 : i32
    %scan3A_315 = arith.addi %scan3A_313, %scan3A_314 : i32
    %scan3A_316 = arith.constant 1 : i32
    scf.for %scan3A_328 = %scan3A_313 to %scan3A_315 step %scan3A_316  : i32 {
      %dma_wait3A = arith.constant 0 : i32
      %dma_wait3A_329 = arith.constant 0 : i32
      %dma_wait3A_330 = tpu.memref_slice %arg7[%dma_wait3A, %dma_wait3A_329] : memref<80x128xi32, #tpu.memory_space<vmem>> -> memref<1x128xi32, #tpu.memory_space<vmem>>
      %dma_wait3A_331 = tpu.memref_squeeze %dma_wait3A_330 : memref<1x128xi32, #tpu.memory_space<vmem>> -> memref<128xi32, #tpu.memory_space<vmem>>
      %dma_wait3A_332 = arith.constant 0 : i32
      %dma_wait3A_333 = tpu.memref_slice %arg12[%dma_wait3A_332] : memref<10240xf32, #tpu.memory_space<vmem_shared>> -> memref<10240xf32, #tpu.memory_space<vmem_shared>>
      tpu.wait_indirect_dma semaphore(%arg14 : memref<!tpu.dma_semaphore, #tpu.memory_space<semaphore_mem>>) src(%arg9 : memref<128xf32, #tpu.memory_space<vmem>>) dst(%dma_wait3A_333 : memref<10240xf32, #tpu.memory_space<vmem_shared>>)
    }
    %scan3A_317 = arith.constant 80 : i32
    %barrier3A_318 = arith.constant 0 : index
    tpu.barrier barrier_id(%barrier3A_318)
    %mul3A_319 = arith.constant 10240 : i32
    %mul3A_320 = arith.muli %arg0, %mul3A_319 : i32
    %add3A_321 = arith.addi %mul3A_320, %mul3A_2 : i32
    %scan3A_322 = arith.constant 0 : i32
    %scan3A_323 = arith.constant 0 : i32
    %scan3A_324 = arith.constant 5 : i32
    %scan3A_325 = arith.addi %scan3A_323, %scan3A_324 : i32
    %scan3A_326 = arith.constant 1 : i32
    scf.for %scan3A_328 = %scan3A_323 to %scan3A_325 step %scan3A_326  : i32 {
      %mul3A_329 = arith.constant 128 : i32
      %mul3A_330 = arith.muli %scan3A_328, %mul3A_329 : i32
      %add3A_331 = arith.addi %mul3A_2, %mul3A_330 : i32
      "tpu.region"() ({
        %run_scoped3A = tpu.sem_alloc : memref<!tpu.dma_semaphore, #tpu.memory_space<semaphore_mem>>
        %dma_start3A = arith.constant 0 : i32
        %dma_start3A_333 = tpu.memref_slice %arg11[%add3A_331, %dma_start3A] : memref<10240x128xf32, #tpu.memory_space<vmem_shared>> -> memref<128x128xf32, #tpu.memory_space<vmem_shared>>
        %dma_start3A_334 = arith.constant 0 : i32
        %dma_start3A_335 = tpu.memref_slice %arg11[%add3A_331, %dma_start3A_334] : memref<10240x128xf32, #tpu.memory_space<vmem_shared>> -> memref<128x128xf32, #tpu.memory_space<vmem_shared>>
        tpu.enqueue_dma source(%dma_start3A_335 : memref<128x128xf32, #tpu.memory_space<vmem_shared>>) target(%arg8 : memref<128x128xf32, #tpu.memory_space<vmem>>) target_semaphore(%run_scoped3A : memref<!tpu.dma_semaphore, #tpu.memory_space<semaphore_mem>>)
        %dma_wait3A = arith.constant 0 : i32
        %dma_wait3A_336 = tpu.memref_slice %arg11[%add3A_331, %dma_wait3A] : memref<10240x128xf32, #tpu.memory_space<vmem_shared>> -> memref<128x128xf32, #tpu.memory_space<vmem_shared>>
        %dma_wait3A_337 = arith.constant 0 : i32
        %dma_wait3A_338 = tpu.memref_slice %arg11[%add3A_331, %dma_wait3A_337] : memref<10240x128xf32, #tpu.memory_space<vmem_shared>> -> memref<128x128xf32, #tpu.memory_space<vmem_shared>>
        tpu.wait_dma2 semaphore(%run_scoped3A : memref<!tpu.dma_semaphore, #tpu.memory_space<semaphore_mem>>) src(%dma_wait3A_338 : memref<128x128xf32, #tpu.memory_space<vmem_shared>>) dst(%arg8 : memref<128x128xf32, #tpu.memory_space<vmem>>)
        tpu.yield
      }) : () -> ()
      %add3A_332 = arith.addi %add3A_321, %mul3A_330 : i32
      "tpu.region"() ({
        %run_scoped3A = tpu.sem_alloc : memref<!tpu.dma_semaphore, #tpu.memory_space<semaphore_mem>>
        %dma_start3A = arith.constant 0 : i32
        %dma_start3A_333 = tpu.memref_slice %arg4[%add3A_332, %dma_start3A] : memref<20480x128xf32, #tpu.memory_space<hbm>> -> memref<128x128xf32, #tpu.memory_space<hbm>>
        %dma_start3A_334 = arith.constant 0 : i32
        %dma_start3A_335 = tpu.memref_slice %arg4[%add3A_332, %dma_start3A_334] : memref<20480x128xf32, #tpu.memory_space<hbm>> -> memref<128x128xf32, #tpu.memory_space<hbm>>
        tpu.enqueue_dma source(%arg8 : memref<128x128xf32, #tpu.memory_space<vmem>>) target(%dma_start3A_335 : memref<128x128xf32, #tpu.memory_space<hbm>>) target_semaphore(%run_scoped3A : memref<!tpu.dma_semaphore, #tpu.memory_space<semaphore_mem>>)
        %dma_wait3A = arith.constant 0 : i32
        %dma_wait3A_336 = tpu.memref_slice %arg4[%add3A_332, %dma_wait3A] : memref<20480x128xf32, #tpu.memory_space<hbm>> -> memref<128x128xf32, #tpu.memory_space<hbm>>
        %dma_wait3A_337 = arith.constant 0 : i32
        %dma_wait3A_338 = tpu.memref_slice %arg4[%add3A_332, %dma_wait3A_337] : memref<20480x128xf32, #tpu.memory_space<hbm>> -> memref<128x128xf32, #tpu.memory_space<hbm>>
        tpu.wait_dma2 semaphore(%run_scoped3A : memref<!tpu.dma_semaphore, #tpu.memory_space<semaphore_mem>>) src(%arg8 : memref<128x128xf32, #tpu.memory_space<vmem>>) dst(%dma_wait3A_338 : memref<128x128xf32, #tpu.memory_space<hbm>>)
        tpu.yield
      }) : () -> ()
    }
    %scan3A_327 = arith.constant 5 : i32
    "tpu.region"() ({
      %run_scoped3A = tpu.sem_alloc : memref<!tpu.dma_semaphore, #tpu.memory_space<semaphore_mem>>
      %dma_start3A = tpu.memref_slice %arg12[%mul3A_2] : memref<10240xf32, #tpu.memory_space<vmem_shared>> -> memref<640xf32, #tpu.memory_space<vmem_shared>>
      %dma_start3A_328 = tpu.memref_slice %arg12[%mul3A_2] : memref<10240xf32, #tpu.memory_space<vmem_shared>> -> memref<640xf32, #tpu.memory_space<vmem_shared>>
      tpu.enqueue_dma source(%dma_start3A_328 : memref<640xf32, #tpu.memory_space<vmem_shared>>) target(%arg10 : memref<640xf32, #tpu.memory_space<vmem>>) target_semaphore(%run_scoped3A : memref<!tpu.dma_semaphore, #tpu.memory_space<semaphore_mem>>)
      %dma_wait3A = tpu.memref_slice %arg12[%mul3A_2] : memref<10240xf32, #tpu.memory_space<vmem_shared>> -> memref<640xf32, #tpu.memory_space<vmem_shared>>
      %dma_wait3A_329 = tpu.memref_slice %arg12[%mul3A_2] : memref<10240xf32, #tpu.memory_space<vmem_shared>> -> memref<640xf32, #tpu.memory_space<vmem_shared>>
      tpu.wait_dma2 semaphore(%run_scoped3A : memref<!tpu.dma_semaphore, #tpu.memory_space<semaphore_mem>>) src(%dma_wait3A_329 : memref<640xf32, #tpu.memory_space<vmem_shared>>) dst(%arg10 : memref<640xf32, #tpu.memory_space<vmem>>)
      tpu.yield
    }) : () -> ()
    "tpu.region"() ({
      %run_scoped3A = tpu.sem_alloc : memref<!tpu.dma_semaphore, #tpu.memory_space<semaphore_mem>>
      %dma_start3A = tpu.memref_slice %arg5[%add3A_321] : memref<20480xf32, #tpu.memory_space<hbm>> -> memref<640xf32, #tpu.memory_space<hbm>>
      %dma_start3A_328 = tpu.memref_slice %arg5[%add3A_321] : memref<20480xf32, #tpu.memory_space<hbm>> -> memref<640xf32, #tpu.memory_space<hbm>>
      tpu.enqueue_dma source(%arg10 : memref<640xf32, #tpu.memory_space<vmem>>) target(%dma_start3A_328 : memref<640xf32, #tpu.memory_space<hbm>>) target_semaphore(%run_scoped3A : memref<!tpu.dma_semaphore, #tpu.memory_space<semaphore_mem>>)
      %dma_wait3A = tpu.memref_slice %arg5[%add3A_321] : memref<20480xf32, #tpu.memory_space<hbm>> -> memref<640xf32, #tpu.memory_space<hbm>>
      %dma_wait3A_329 = tpu.memref_slice %arg5[%add3A_321] : memref<20480xf32, #tpu.memory_space<hbm>> -> memref<640xf32, #tpu.memory_space<hbm>>
      tpu.wait_dma2 semaphore(%run_scoped3A : memref<!tpu.dma_semaphore, #tpu.memory_space<semaphore_mem>>) src(%arg10 : memref<640xf32, #tpu.memory_space<vmem>>) dst(%dma_wait3A_329 : memref<640xf32, #tpu.memory_space<hbm>>)
      tpu.yield
    }) : () -> ()
    return
  }
}

module attributes {stable_mosaic.version = 14 : i64} {
  func.func @_lead_body(%arg0: i32, %arg1: memref<1000x128xf32, #tpu.memory_space<vmem>>, %arg2: memref<128x384xf32, #tpu.memory_space<vmem>>, %arg3: memref<1000x128xf32, #tpu.memory_space<vmem>>, %arg4: memref<1000x128xf32, #tpu.memory_space<vmem>>, %arg5: memref<1000x128xf32, #tpu.memory_space<vmem>>) attributes {dimension_semantics = [#tpu.dimension_semantics<arbitrary>], iteration_bounds = array<i64: 10>, scalar_prefetch = 0 : i64, scratch_operands = 0 : i64, tpu.core_type = #tpu.core_type<tc>, window_params = [{transform_indices = @transform_0, window_bounds = array<i64: 1000, 128>}, {pipeline_mode = #tpu.pipeline_mode<synchronous>, transform_indices = @transform_1, window_bounds = array<i64: 128, 384>}, {transform_indices = @transform_2, window_bounds = array<i64: 1000, 128>}, {transform_indices = @transform_3, window_bounds = array<i64: 1000, 128>}, {transform_indices = @transform_4, window_bounds = array<i64: 1000, 128>}]} {
    %get3A = arith.constant 0 : index
    %get3A_0 = arith.constant 0 : index
    %get3A_1 = vector.load %arg1[%get3A, %get3A_0] : memref<1000x128xf32, #tpu.memory_space<vmem>>, vector<1000x128xf32>
    %get3A_2 = arith.constant 0 : index
    %get3A_3 = arith.constant 0 : index
    %get3A_4 = vector.load %arg2[%get3A_2, %get3A_3] : memref<128x384xf32, #tpu.memory_space<vmem>>, vector<128x384xf32>
    %dot_general3A = arith.constant dense<0.000000e+00> : vector<1000x384xf32>
    %dot_general3A_5 = tpu.matmul %get3A_1, %get3A_4, %dot_general3A {dimension_numbers = #tpu.dot_dimension_numbers<[1], [0], [0], [1], [0, 0, 1, 1], [], []>, transpose_lhs_hint = false} : vector<1000x128xf32>, vector<128x384xf32>, vector<1000x384xf32> -> vector<1000x384xf32>
    %slice3A = vector.extract_strided_slice %dot_general3A_5 {offsets = [0, 0], sizes = [1000, 128], strides = [1, 1]} : vector<1000x384xf32> to vector<1000x128xf32>
    %swap3A = arith.constant 0 : index
    %swap3A_6 = arith.constant 0 : index
    %swap3A_7 = vector.load %arg3[%swap3A, %swap3A_6] : memref<1000x128xf32, #tpu.memory_space<vmem>>, vector<1000x128xf32>
    tpu.vector_store %arg3[%swap3A, %swap3A_6], %slice3A {strides = array<i32>} : memref<1000x128xf32, #tpu.memory_space<vmem>>, vector<1000x128xf32>,
    %slice3A_8 = vector.extract_strided_slice %dot_general3A_5 {offsets = [0, 128], sizes = [1000, 128], strides = [1, 1]} : vector<1000x384xf32> to vector<1000x128xf32>
    %swap3A_9 = arith.constant 0 : index
    %swap3A_10 = arith.constant 0 : index
    %swap3A_11 = vector.load %arg4[%swap3A_9, %swap3A_10] : memref<1000x128xf32, #tpu.memory_space<vmem>>, vector<1000x128xf32>
    tpu.vector_store %arg4[%swap3A_9, %swap3A_10], %slice3A_8 {strides = array<i32>} : memref<1000x128xf32, #tpu.memory_space<vmem>>, vector<1000x128xf32>,
    %slice3A_12 = vector.extract_strided_slice %dot_general3A_5 {offsets = [0, 256], sizes = [1000, 128], strides = [1, 1]} : vector<1000x384xf32> to vector<1000x128xf32>
    %swap3A_13 = arith.constant 0 : index
    %swap3A_14 = arith.constant 0 : index
    %swap3A_15 = vector.load %arg5[%swap3A_13, %swap3A_14] : memref<1000x128xf32, #tpu.memory_space<vmem>>, vector<1000x128xf32>
    tpu.vector_store %arg5[%swap3A_13, %swap3A_14], %slice3A_12 {strides = array<i32>} : memref<1000x128xf32, #tpu.memory_space<vmem>>, vector<1000x128xf32>,
    return
  }
  func.func @transform_0(%arg0: i32) -> (i32, i32) {
    %c0_i32 = arith.constant 0 : i32
    %c0_i32_0 = arith.constant 0 : i32
    return %arg0, %c0_i32 : i32, i32
  }
  func.func @transform_1(%arg0: i32) -> (i32, i32) {
    %c0_i32 = arith.constant 0 : i32
    %c0_i32_0 = arith.constant 0 : i32
    %c0_i32_1 = arith.constant 0 : i32
    return %c0_i32, %c0_i32_0 : i32, i32
  }
  func.func @transform_2(%arg0: i32) -> (i32, i32) {
    %c0_i32 = arith.constant 0 : i32
    %c0_i32_0 = arith.constant 0 : i32
    return %arg0, %c0_i32 : i32, i32
  }
  func.func @transform_3(%arg0: i32) -> (i32, i32) {
    %c0_i32 = arith.constant 0 : i32
    %c0_i32_0 = arith.constant 0 : i32
    return %arg0, %c0_i32 : i32, i32
  }
  func.func @transform_4(%arg0: i32) -> (i32, i32) {
    %c0_i32 = arith.constant 0 : i32
    %c0_i32_0 = arith.constant 0 : i32
    return %arg0, %c0_i32 : i32, i32
  }
}

module attributes {stable_mosaic.version = 14 : i64} {
  func.func @_mid_body(%arg0: i32, %arg1: memref<2x1000x128xf32, #tpu.memory_space<vmem>>, %arg2: memref<2x1000x1xf32, #tpu.memory_space<vmem>>, %arg3: memref<1000x128xf32, #tpu.memory_space<vmem>>, %arg4: memref<1000x128xf32, #tpu.memory_space<vmem>>, %arg5: memref<1x128xf32, #tpu.memory_space<vmem>>, %arg6: memref<1x128xf32, #tpu.memory_space<vmem>>, %arg7: memref<128x256xf32, #tpu.memory_space<vmem>>, %arg8: memref<1000x128xf32, #tpu.memory_space<vmem>>, %arg9: memref<1000x128xf32, #tpu.memory_space<vmem>>) attributes {dimension_semantics = [#tpu.dimension_semantics<arbitrary>], iteration_bounds = array<i64: 10>, scalar_prefetch = 0 : i64, scratch_operands = 0 : i64, tpu.core_type = #tpu.core_type<tc>, window_params = [{transform_indices = @transform_0, window_bounds = array<i64: 2, 1000, 128>}, {transform_indices = @transform_1, window_bounds = array<i64: 2, 1000, 1>}, {transform_indices = @transform_2, window_bounds = array<i64: 1000, 128>}, {transform_indices = @transform_3, window_bounds = array<i64: 1000, 128>}, {pipeline_mode = #tpu.pipeline_mode<synchronous>, transform_indices = @transform_4, window_bounds = array<i64: 1, 128>}, {pipeline_mode = #tpu.pipeline_mode<synchronous>, transform_indices = @transform_5, window_bounds = array<i64: 1, 128>}, {pipeline_mode = #tpu.pipeline_mode<synchronous>, transform_indices = @transform_6, window_bounds = array<i64: 128, 256>}, {transform_indices = @transform_7, window_bounds = array<i64: 1000, 128>}, {transform_indices = @transform_8, window_bounds = array<i64: 1000, 128>}]} {
    %get3A = arith.constant 0 : index
    %get3A_0 = arith.constant 0 : index
    %get3A_1 = arith.constant 0 : index
    %get3A_2 = vector.load %arg2[%get3A, %get3A_0, %get3A_1] : memref<2x1000x1xf32, #tpu.memory_space<vmem>>, vector<1x1000x1xf32>
    %get3A_3 = vector.shape_cast %get3A_2 : vector<1x1000x1xf32> to vector<1000x1xf32>
    %get3A_4 = arith.constant 1 : index
    %get3A_5 = arith.constant 0 : index
    %get3A_6 = arith.constant 0 : index
    %get3A_7 = vector.load %arg2[%get3A_4, %get3A_5, %get3A_6] : memref<2x1000x1xf32, #tpu.memory_space<vmem>>, vector<1x1000x1xf32>
    %get3A_8 = vector.shape_cast %get3A_7 : vector<1x1000x1xf32> to vector<1000x1xf32>
    %add3A = arith.addf %get3A_3, %get3A_8 : vector<1000x1xf32>
    %max3A = arith.constant 1.000000e+00 : f32
    %max3A_9 = vector.broadcast %max3A : f32 to vector<1000x1xf32>
    %max3A_10 = arith.maximumf %add3A, %max3A_9 : vector<1000x1xf32>
    %div3A = arith.constant 1.000000e+00 : f32
    %div3A_11 = vector.broadcast %div3A : f32 to vector<1000x1xf32>
    %div3A_12 = arith.divf %div3A_11, %max3A_10 : vector<1000x1xf32>
    %get3A_13 = arith.constant 0 : index
    %get3A_14 = arith.constant 0 : index
    %get3A_15 = arith.constant 0 : index
    %get3A_16 = vector.load %arg1[%get3A_13, %get3A_14, %get3A_15] : memref<2x1000x128xf32, #tpu.memory_space<vmem>>, vector<1x1000x128xf32>
    %get3A_17 = vector.shape_cast %get3A_16 : vector<1x1000x128xf32> to vector<1000x128xf32>
    %get3A_18 = arith.constant 1 : index
    %get3A_19 = arith.constant 0 : index
    %get3A_20 = arith.constant 0 : index
    %get3A_21 = vector.load %arg1[%get3A_18, %get3A_19, %get3A_20] : memref<2x1000x128xf32, #tpu.memory_space<vmem>>, vector<1x1000x128xf32>
    %get3A_22 = vector.shape_cast %get3A_21 : vector<1x1000x128xf32> to vector<1000x128xf32>
    %add3A_23 = arith.addf %get3A_17, %get3A_22 : vector<1000x128xf32>
    %mul3A = vector.broadcast %div3A_12 : vector<1000x1xf32> to vector<1000x128xf32>
    %mul3A_24 = arith.mulf %add3A_23, %mul3A : vector<1000x128xf32>
    %get3A_25 = arith.constant 0 : index
    %get3A_26 = arith.constant 0 : index
    %get3A_27 = vector.load %arg5[%get3A_25, %get3A_26] : memref<1x128xf32, #tpu.memory_space<vmem>>, vector<1x128xf32>
    %add3A_28 = vector.broadcast %get3A_27 : vector<1x128xf32> to vector<1000x128xf32>
    %add3A_29 = arith.addf %mul3A_24, %add3A_28 : vector<1000x128xf32>
    %get3A_30 = arith.constant 0 : index
    %get3A_31 = arith.constant 0 : index
    %get3A_32 = vector.load %arg3[%get3A_30, %get3A_31] : memref<1000x128xf32, #tpu.memory_space<vmem>>, vector<1000x128xf32>
    %add3A_33 = arith.addf %add3A_29, %get3A_32 : vector<1000x128xf32>
    %get3A_34 = arith.constant 0 : index
    %get3A_35 = arith.constant 0 : index
    %get3A_36 = vector.load %arg6[%get3A_34, %get3A_35] : memref<1x128xf32, #tpu.memory_space<vmem>>, vector<1x128xf32>
    %ge3A = arith.constant 0.000000e+00 : f32
    %ge3A_37 = vector.broadcast %ge3A : f32 to vector<1000x128xf32>
    %ge3A_38 = arith.cmpf oge, %add3A_33, %ge3A_37 : vector<1000x128xf32>
    %mul3A_39 = vector.broadcast %get3A_36 : vector<1x128xf32> to vector<1000x128xf32>
    %mul3A_40 = arith.mulf %mul3A_39, %add3A_33 : vector<1000x128xf32>
    %select_n3A = arith.select %ge3A_38, %add3A_33, %mul3A_40 : vector<1000x128xi1>, vector<1000x128xf32>
    %ge3A_41 = arith.constant 0.000000e+00 : f32
    %ge3A_42 = vector.broadcast %ge3A_41 : f32 to vector<1000x128xf32>
    %ge3A_43 = arith.cmpf oge, %select_n3A, %ge3A_42 : vector<1000x128xf32>
    %mul3A_44 = vector.broadcast %get3A_36 : vector<1x128xf32> to vector<1000x128xf32>
    %mul3A_45 = arith.mulf %mul3A_44, %select_n3A : vector<1000x128xf32>
    %select_n3A_46 = arith.select %ge3A_43, %select_n3A, %mul3A_45 : vector<1000x128xi1>, vector<1000x128xf32>
    %get3A_47 = arith.constant 0 : index
    %get3A_48 = arith.constant 0 : index
    %get3A_49 = vector.load %arg4[%get3A_47, %get3A_48] : memref<1000x128xf32, #tpu.memory_space<vmem>>, vector<1000x128xf32>
    %add3A_50 = arith.addf %select_n3A_46, %get3A_49 : vector<1000x128xf32>
    %get3A_51 = arith.constant 0 : index
    %get3A_52 = arith.constant 0 : index
    %get3A_53 = vector.load %arg7[%get3A_51, %get3A_52] : memref<128x256xf32, #tpu.memory_space<vmem>>, vector<128x256xf32>
    %dot_general3A = arith.constant dense<0.000000e+00> : vector<1000x256xf32>
    %dot_general3A_54 = tpu.matmul %add3A_50, %get3A_53, %dot_general3A {dimension_numbers = #tpu.dot_dimension_numbers<[1], [0], [0], [1], [0, 0, 1, 1], [], []>, transpose_lhs_hint = false} : vector<1000x128xf32>, vector<128x256xf32>, vector<1000x256xf32> -> vector<1000x256xf32>
    %slice3A = vector.extract_strided_slice %dot_general3A_54 {offsets = [0, 0], sizes = [1000, 128], strides = [1, 1]} : vector<1000x256xf32> to vector<1000x128xf32>
    %swap3A = arith.constant 0 : index
    %swap3A_55 = arith.constant 0 : index
    %swap3A_56 = vector.load %arg8[%swap3A, %swap3A_55] : memref<1000x128xf32, #tpu.memory_space<vmem>>, vector<1000x128xf32>
    tpu.vector_store %arg8[%swap3A, %swap3A_55], %slice3A {strides = array<i32>} : memref<1000x128xf32, #tpu.memory_space<vmem>>, vector<1000x128xf32>,
    %slice3A_57 = vector.extract_strided_slice %dot_general3A_54 {offsets = [0, 128], sizes = [1000, 128], strides = [1, 1]} : vector<1000x256xf32> to vector<1000x128xf32>
    %swap3A_58 = arith.constant 0 : index
    %swap3A_59 = arith.constant 0 : index
    %swap3A_60 = vector.load %arg9[%swap3A_58, %swap3A_59] : memref<1000x128xf32, #tpu.memory_space<vmem>>, vector<1000x128xf32>
    tpu.vector_store %arg9[%swap3A_58, %swap3A_59], %slice3A_57 {strides = array<i32>} : memref<1000x128xf32, #tpu.memory_space<vmem>>, vector<1000x128xf32>,
    return
  }
  func.func @transform_0(%arg0: i32) -> (i32, i32, i32) {
    %c0_i32 = arith.constant 0 : i32
    %c0_i32_0 = arith.constant 0 : i32
    %c0_i32_1 = arith.constant 0 : i32
    return %c0_i32, %arg0, %c0_i32_0 : i32, i32, i32
  }
  func.func @transform_1(%arg0: i32) -> (i32, i32, i32) {
    %c0_i32 = arith.constant 0 : i32
    %c0_i32_0 = arith.constant 0 : i32
    %c0_i32_1 = arith.constant 0 : i32
    return %c0_i32, %arg0, %c0_i32_0 : i32, i32, i32
  }
  func.func @transform_2(%arg0: i32) -> (i32, i32) {
    %c0_i32 = arith.constant 0 : i32
    %c0_i32_0 = arith.constant 0 : i32
    return %arg0, %c0_i32 : i32, i32
  }
  func.func @transform_3(%arg0: i32) -> (i32, i32) {
    %c0_i32 = arith.constant 0 : i32
    %c0_i32_0 = arith.constant 0 : i32
    return %arg0, %c0_i32 : i32, i32
  }
  func.func @transform_4(%arg0: i32) -> (i32, i32) {
    %c0_i32 = arith.constant 0 : i32
    %c0_i32_0 = arith.constant 0 : i32
    %c0_i32_1 = arith.constant 0 : i32
    return %c0_i32, %c0_i32_0 : i32, i32
  }
  func.func @transform_5(%arg0: i32) -> (i32, i32) {
    %c0_i32 = arith.constant 0 : i32
    %c0_i32_0 = arith.constant 0 : i32
    %c0_i32_1 = arith.constant 0 : i32
    return %c0_i32, %c0_i32_0 : i32, i32
  }
  func.func @transform_6(%arg0: i32) -> (i32, i32) {
    %c0_i32 = arith.constant 0 : i32
    %c0_i32_0 = arith.constant 0 : i32
    %c0_i32_1 = arith.constant 0 : i32
    return %c0_i32, %c0_i32_0 : i32, i32
  }
  func.func @transform_7(%arg0: i32) -> (i32, i32) {
    %c0_i32 = arith.constant 0 : i32
    %c0_i32_0 = arith.constant 0 : i32
    return %arg0, %c0_i32 : i32, i32
  }
  func.func @transform_8(%arg0: i32) -> (i32, i32) {
    %c0_i32 = arith.constant 0 : i32
    %c0_i32_0 = arith.constant 0 : i32
    return %arg0, %c0_i32 : i32, i32
  }
}

module attributes {stable_mosaic.version = 14 : i64} {
  func.func @_fin_body(%arg0: i32, %arg1: memref<2x1000x128xf32, #tpu.memory_space<vmem>>, %arg2: memref<2x1000x1xf32, #tpu.memory_space<vmem>>, %arg3: memref<1000x128xf32, #tpu.memory_space<vmem>>, %arg4: memref<1x128xf32, #tpu.memory_space<vmem>>, %arg5: memref<1x128xf32, #tpu.memory_space<vmem>>, %arg6: memref<1000x128xf32, #tpu.memory_space<vmem>>) attributes {dimension_semantics = [#tpu.dimension_semantics<arbitrary>], iteration_bounds = array<i64: 10>, scalar_prefetch = 0 : i64, scratch_operands = 0 : i64, tpu.core_type = #tpu.core_type<tc>, window_params = [{transform_indices = @transform_0, window_bounds = array<i64: 2, 1000, 128>}, {transform_indices = @transform_1, window_bounds = array<i64: 2, 1000, 1>}, {transform_indices = @transform_2, window_bounds = array<i64: 1000, 128>}, {pipeline_mode = #tpu.pipeline_mode<synchronous>, transform_indices = @transform_3, window_bounds = array<i64: 1, 128>}, {pipeline_mode = #tpu.pipeline_mode<synchronous>, transform_indices = @transform_4, window_bounds = array<i64: 1, 128>}, {transform_indices = @transform_5, window_bounds = array<i64: 1000, 128>}]} {
    %get3A = arith.constant 0 : index
    %get3A_0 = arith.constant 0 : index
    %get3A_1 = arith.constant 0 : index
    %get3A_2 = vector.load %arg2[%get3A, %get3A_0, %get3A_1] : memref<2x1000x1xf32, #tpu.memory_space<vmem>>, vector<1x1000x1xf32>
    %get3A_3 = vector.shape_cast %get3A_2 : vector<1x1000x1xf32> to vector<1000x1xf32>
    %get3A_4 = arith.constant 1 : index
    %get3A_5 = arith.constant 0 : index
    %get3A_6 = arith.constant 0 : index
    %get3A_7 = vector.load %arg2[%get3A_4, %get3A_5, %get3A_6] : memref<2x1000x1xf32, #tpu.memory_space<vmem>>, vector<1x1000x1xf32>
    %get3A_8 = vector.shape_cast %get3A_7 : vector<1x1000x1xf32> to vector<1000x1xf32>
    %add3A = arith.addf %get3A_3, %get3A_8 : vector<1000x1xf32>
    %max3A = arith.constant 1.000000e+00 : f32
    %max3A_9 = vector.broadcast %max3A : f32 to vector<1000x1xf32>
    %max3A_10 = arith.maximumf %add3A, %max3A_9 : vector<1000x1xf32>
    %div3A = arith.constant 1.000000e+00 : f32
    %div3A_11 = vector.broadcast %div3A : f32 to vector<1000x1xf32>
    %div3A_12 = arith.divf %div3A_11, %max3A_10 : vector<1000x1xf32>
    %get3A_13 = arith.constant 0 : index
    %get3A_14 = arith.constant 0 : index
    %get3A_15 = arith.constant 0 : index
    %get3A_16 = vector.load %arg1[%get3A_13, %get3A_14, %get3A_15] : memref<2x1000x128xf32, #tpu.memory_space<vmem>>, vector<1x1000x128xf32>
    %get3A_17 = vector.shape_cast %get3A_16 : vector<1x1000x128xf32> to vector<1000x128xf32>
    %get3A_18 = arith.constant 1 : index
    %get3A_19 = arith.constant 0 : index
    %get3A_20 = arith.constant 0 : index
    %get3A_21 = vector.load %arg1[%get3A_18, %get3A_19, %get3A_20] : memref<2x1000x128xf32, #tpu.memory_space<vmem>>, vector<1x1000x128xf32>
    %get3A_22 = vector.shape_cast %get3A_21 : vector<1x1000x128xf32> to vector<1000x128xf32>
    %add3A_23 = arith.addf %get3A_17, %get3A_22 : vector<1000x128xf32>
    %mul3A = vector.broadcast %div3A_12 : vector<1000x1xf32> to vector<1000x128xf32>
    %mul3A_24 = arith.mulf %add3A_23, %mul3A : vector<1000x128xf32>
    %get3A_25 = arith.constant 0 : index
    %get3A_26 = arith.constant 0 : index
    %get3A_27 = vector.load %arg4[%get3A_25, %get3A_26] : memref<1x128xf32, #tpu.memory_space<vmem>>, vector<1x128xf32>
    %add3A_28 = vector.broadcast %get3A_27 : vector<1x128xf32> to vector<1000x128xf32>
    %add3A_29 = arith.addf %mul3A_24, %add3A_28 : vector<1000x128xf32>
    %get3A_30 = arith.constant 0 : index
    %get3A_31 = arith.constant 0 : index
    %get3A_32 = vector.load %arg3[%get3A_30, %get3A_31] : memref<1000x128xf32, #tpu.memory_space<vmem>>, vector<1000x128xf32>
    %add3A_33 = arith.addf %add3A_29, %get3A_32 : vector<1000x128xf32>
    %get3A_34 = arith.constant 0 : index
    %get3A_35 = arith.constant 0 : index
    %get3A_36 = vector.load %arg5[%get3A_34, %get3A_35] : memref<1x128xf32, #tpu.memory_space<vmem>>, vector<1x128xf32>
    %ge3A = arith.constant 0.000000e+00 : f32
    %ge3A_37 = vector.broadcast %ge3A : f32 to vector<1000x128xf32>
    %ge3A_38 = arith.cmpf oge, %add3A_33, %ge3A_37 : vector<1000x128xf32>
    %mul3A_39 = vector.broadcast %get3A_36 : vector<1x128xf32> to vector<1000x128xf32>
    %mul3A_40 = arith.mulf %mul3A_39, %add3A_33 : vector<1000x128xf32>
    %select_n3A = arith.select %ge3A_38, %add3A_33, %mul3A_40 : vector<1000x128xi1>, vector<1000x128xf32>
    %swap3A = arith.constant 0 : index
    %swap3A_41 = arith.constant 0 : index
    %swap3A_42 = vector.load %arg6[%swap3A, %swap3A_41] : memref<1000x128xf32, #tpu.memory_space<vmem>>, vector<1000x128xf32>
    tpu.vector_store %arg6[%swap3A, %swap3A_41], %select_n3A {strides = array<i32>} : memref<1000x128xf32, #tpu.memory_space<vmem>>, vector<1000x128xf32>,
    return
  }
  func.func @transform_0(%arg0: i32) -> (i32, i32, i32) {
    %c0_i32 = arith.constant 0 : i32
    %c0_i32_0 = arith.constant 0 : i32
    %c0_i32_1 = arith.constant 0 : i32
    return %c0_i32, %arg0, %c0_i32_0 : i32, i32, i32
  }
  func.func @transform_1(%arg0: i32) -> (i32, i32, i32) {
    %c0_i32 = arith.constant 0 : i32
    %c0_i32_0 = arith.constant 0 : i32
    %c0_i32_1 = arith.constant 0 : i32
    return %c0_i32, %arg0, %c0_i32_0 : i32, i32, i32
  }
  func.func @transform_2(%arg0: i32) -> (i32, i32) {
    %c0_i32 = arith.constant 0 : i32
    %c0_i32_0 = arith.constant 0 : i32
    return %arg0, %c0_i32 : i32, i32
  }
  func.func @transform_3(%arg0: i32) -> (i32, i32) {
    %c0_i32 = arith.constant 0 : i32
    %c0_i32_0 = arith.constant 0 : i32
    %c0_i32_1 = arith.constant 0 : i32
    return %c0_i32, %c0_i32_0 : i32, i32
  }
  func.func @transform_4(%arg0: i32) -> (i32, i32) {
    %c0_i32 = arith.constant 0 : i32
    %c0_i32_0 = arith.constant 0 : i32
    %c0_i32_1 = arith.constant 0 : i32
    return %c0_i32, %c0_i32_0 : i32, i32
  }
  func.func @transform_5(%arg0: i32) -> (i32, i32) {
    %c0_i32 = arith.constant 0 : i32
    %c0_i32_0 = arith.constant 0 : i32
    return %arg0, %c0_i32 : i32, i32
  }
}

</mosaic_0001>

<sc_bundles>
// kernel: kernel.10.cloned.1.call-start
scs
__scs_entry_jumppad:
0x0: {  	(pc) =	sbr.rel $0x88, $3  }
0x1: {  	(tag) =	ssettag $0x0;
	lr =	simm.s32 $0x1  }
0x2: {  	[smem:$0x3F96] =	sst lr;
	_ =	strace $0xD0000000  }
0x3: {  	_ = 	snop  }
0x4: {  	_ = 	snop  }
0x5: {  	_ = 	snop  }
0x6: {  	_ = 	snop  }
0x7: {  	_ = 	snop  }
__scs_overlays_trampoline_lowered:
0x8: {  	[smem:$0x3FA5] =	sst s0  }
0x9: {  	[smem:$0x3FA6] =	sst s1  }
0xa: {  	[smem:$0x3FA7] =	sst s2  }
0xb: {  	[smem:$0x3FA8] =	sst s3  }
0xc: {  	[smem:$0x3FA9] =	sst s4  }
0xd: {  	[smem:$0x3FAA] =	sst s5  }
0xe: {  	[smem:$0x3FAB] =	sst s6  }
0xf: {  	[smem:$0x3FAC] =	sst s7  }
0x10: {  	[smem:$0x3FAD] =	sst s8  }
0x11: {  	[smem:$0x3FAE] =	sst s9;
	s0 =	simm.s32 @!p0 $0x0  }
0x12: {  	s1 =	sld [smem:$0x3F94];
	s0 =	simm.s32 @p0 $0x1  }
0x13: {  	[smem:$0x3FAF] =	sst s0;
	s0 =	simm.s32 @!p1 $0x0  }
0x14: {  	s2 =	sld [smem:$0x3F93];
	s0 =	simm.s32 @p1 $0x1  }
0x15: {  	[smem:$0x3FB0] =	sst s0;
	s0 =	simm.s32 @!p2 $0x0  }
0x16: {  	s3 =	sld [smem:$0x3FDB];
	s0 =	simm.s32 @p2 $0x1  }
0x17: {  	s4 =	simm.s32 $0x1BF5;
	[smem:$0x3FB2] =	sst s0  }
0x18: {  	s0 =	sld [smem:$0x3F95];
	_ =	swait.ge [sflag:s4], $0x0  }
0x19: {  	s7 =	sld [smem:$0x3F96]  }
0x1a: {  	s8 =	sadd.s32 $0xFFFFE003, lr  }
0x1b: {  	s9 =	sadd.s32 $0xFFFFFEF7, lr;
	s5 =	simm.s32 $0xFFFFFFFF;
	p2 =	slt.u32 s8, $0xFFFFF086  }
0x1c: {  	p1 =	slt.u32 s9, $0xF7A;
	s5 =	simm.s32 @!p2 $0x0  }
0x1d: {  	s5 =	simm.s32 @p1 $0x1;
	p0 =	seq.s32 s7, s2  }
0x1e: {  	s7 =	smul.u32 @!p0 $0xF7A, s2;
	p2 =	seq.s32 @!p0 s5, $0x0  }
0x1f: {  	s9 =	smul.u32 $0xF7A, s1;
	s8 =	simm.s32 @!p0 $0x1BF5;
	p2 =	por !p2, p0  }
0x20: {  	[sflag:s8] =	ssyncset.s32 @!p0 $0xFFFFF086;
	s6 =	sadd.s32 @!p0 s3, s7;
	s7 =	simm.s32 @!p0 $0x108  }
0x21: {  	s3 =	sadd.s32 s3, s9;
	s6 =	sadd.s32 @!p0 $0x88, s6;
	s7 =	simm.s32 @p2 $0x1082  }
0x22: {  	[simem:s7], [sflag:s8] =	dma.local @!p0 [hbm:s6], $0xF7A  }
0x23: {  	s9 =	sor.u32 $0xD0000000, s2;
	s6 =	simm.s32 $0x108;
	_ =	swait.ge @!p0 [sflag:s8], $0x0  }
0x24: {  	s3 =	sadd.s32 $0x88, s3;
	s6 =	simm.s32 @!p1 $0x1082;
	[sflag:s4] =	ssyncset.s32 $0xFFFFF086  }
0x25: {  	[simem:s6], [sflag:s4] =	dma.local [hbm:s3], $0xF7A  }
0x26: {  	[smem:$0x3F96] =	sst s1;
	(tag) =	ssettag s2;
	_ =	strace s9  }
0x27: {  	s1 =	sld [smem:$0x3FA6]  }
0x28: {  	s2 =	sld [smem:$0x3FA7]  }
0x29: {  	s4 =	sld [smem:$0x3FA9]  }
0x2a: {  	p0 =	seq.s32 s5, $0x0;
	s5 =	sld [smem:$0x3FAA]  }
0x2b: {  	s6 =	sld [smem:$0x3FAB]  }
0x2c: {  	s7 =	sld [smem:$0x3FAC]  }
0x2d: {  	s3 =	simm.s32 $0x108;
	s8 =	sld [smem:$0x3FAD]  }
0x2e: {  	s3 =	simm.s32 @!p0 $0x1082;
	s9 =	sld [smem:$0x3FAE]  }
0x2f: {  	lr =	sadd.s32 s0, s3;
	s0 =	sld [smem:$0x3FA5]  }
0x30: {  	s3 =	sld [smem:$0x3FA8]  }
0x31: {  	[smem:$0x3FB1] =	sst s10  }
0x32: {  	s10 =	sld [smem:$0x3FAF];
	_ =	sdelay $0x3  }
0x33: {  	p0 =	seq.s32 s10, $0x1;
	s10 =	sld [smem:$0x3FB1];
	_ =	sdelay $0x3  }
0x34: {  	[smem:$0x3FB1] =	sst s10  }
0x35: {  	s10 =	sld [smem:$0x3FB0];
	_ =	sdelay $0x3  }
0x36: {  	p1 =	seq.s32 s10, $0x1;
	s10 =	sld [smem:$0x3FB1];
	_ =	sdelay $0x3  }
0x37: {  	[smem:$0x3FB1] =	sst s10  }
0x38: {  	s10 =	sld [smem:$0x3FB2]  }
0x39: {  	_ = 	snop;
	(pc) =	sbr.ind lr, $3  }
0x3a: {  	_ = 	snop  }
0x3b: {  	_ = 	snop  }
0x3c: {  	p2 =	seq.s32 s10, $0x1;
	s10 =	sld [smem:$0x3FB1]  }
0x3d: {  	_ =	shalt  }
0x3e: {  	_ =	shalt  }
0x3f: {  	_ =	shalt  }
0x40: {  	_ =	shalt  }
0x41: {  	_ =	shalt  }
0x42: {  	_ =	shalt  }
0x43: {  	_ =	shalt  }
0x44: {  	_ =	shalt  }
0x45: {  	_ =	shalt  }
0x46: {  	_ =	shalt  }
0x47: {  	_ =	shalt  }
0x48: {  	_ =	shalt  }
0x49: {  	_ =	shalt  }
0x4a: {  	_ =	shalt  }
0x4b: {  	_ =	shalt  }
0x4c: {  	_ =	shalt  }
0x4d: {  	_ =	shalt  }
0x4e: {  	_ =	shalt  }
0x4f: {  	_ =	shalt  }
0x50: {  	_ =	shalt  }
0x51: {  	_ =	shalt  }
0x52: {  	_ =	shalt  }
0x53: {  	_ =	shalt  }
0x54: {  	_ =	shalt  }
0x55: {  	_ =	shalt  }
0x56: {  	_ =	shalt  }
0x57: {  	_ =	shalt  }
0x58: {  	_ =	shalt  }
0x59: {  	_ =	shalt  }
0x5a: {  	_ =	shalt  }
0x5b: {  	_ =	shalt  }
0x5c: {  	_ =	shalt  }
0x5d: {  	_ =	shalt  }
0x5e: {  	_ =	shalt  }
0x5f: {  	_ =	shalt  }
0x60: {  	_ =	shalt  }
0x61: {  	_ =	shalt  }
0x62: {  	_ =	shalt  }
0x63: {  	_ =	shalt  }
0x64: {  	_ =	shalt  }
0x65: {  	_ =	shalt  }
0x66: {  	_ =	shalt  }
0x67: {  	_ =	shalt  }
0x68: {  	_ =	shalt  }
0x69: {  	_ =	shalt  }
0x6a: {  	_ =	shalt  }
0x6b: {  	_ =	shalt  }
0x6c: {  	_ =	shalt  }
0x6d: {  	_ =	shalt  }
0x6e: {  	_ =	shalt  }
0x6f: {  	_ =	shalt  }
0x70: {  	_ =	shalt  }
0x71: {  	_ =	shalt  }
0x72: {  	_ =	shalt  }
0x73: {  	_ =	shalt  }
0x74: {  	_ =	shalt  }
0x75: {  	_ =	shalt  }
0x76: {  	_ =	shalt  }
0x77: {  	_ =	shalt  }
0x78: {  	_ =	shalt  }
0x79: {  	_ =	shalt  }
0x7a: {  	_ =	shalt  }
0x7b: {  	_ =	shalt  }
0x7c: {  	_ =	shalt  }
0x7d: {  	_ =	shalt  }
0x7e: {  	_ =	shalt  }
0x7f: {  	_ =	shalt  }
0x80: {  	_ =	shalt  }
0x81: {  	_ =	shalt  }
0x82: {  	_ =	shalt  }
0x83: {  	_ =	shalt  }
0x84: {  	_ =	shalt  }
0x85: {  	_ =	shalt  }
0x86: {  	_ =	shalt  }
0x87: {  	_ =	shalt  }
.Lfunc_end0:
.L_simem_size_0:
called_computation.1_lowered:
.L_overlay_start_0:
0x88: {  	s2 =	sld [smem:$0x3FD9]  }
0x89: {  	s3 =	sld [smem:$0x3FFE];
	_ =	sdelay $0x1  }
0x8a: {  	s1 =	srdreg.scid  }
0x8b: {  	s0 =	sand.u32 $0x1, s1  }
0x8c: {  	s17 =	sshll.u32 s0, $0xA;
	s2 =	sadd.s32 s3, s2  }
0x8d: {  	s2 =	sadd.s32 s2, s17  }
0x8e: {  	[smem:$0x3FBD] =	sst s2  }
0x8f: {  	_ = 	snop  }
0x90: {  	s2 =	sld [smem:$0x3FD0];
	(tm) =	ssettm $0x1  }
0x91: {  	s18 =	sld [smem:$0x3FFB];
	_ =	sdelay $0x3  }
0x92: {  	_ =	strace s18  }
0x93: {  	s3 =	sld [smem:$0x3FFC];
	_ =	sdelay $0x3  }
0x94: {  	_ =	strace s3  }
0x95: {  	s3 =	sld [smem:$0x3FFD];
	_ =	sdelay $0x3  }
0x96: {  	_ =	strace s3  }
0x97: {  	_ =	strace $0x8FFFFFFF  }
0x98: {  	s19 =	sld [smem:$0x3FDB];
	_ =	sdelay $0x1  }
0x99: {  	s4 =	simm.s32 $_scs_section_size  }
0x9a: {  	s5 =	simm.s32 $_size__tile_overlayer_lowered;
	s6 =	simm.s32 $_tile_overlayer_lowered  }
0x9b: {  	s22 =	simm.s32 $0x1BFF;
	s21 =	sshll.u32 s6, $0x1;
	s3 =	sadd.s32 s4, s19  }
0x9c: {  	s7 =	simm.s32 $0x0;
	s20 =	sshll.u32 s5, $0x1;
	s5 =	sadd.s32 s21, s3  }
0x9d: {  	[timem:s7], [sflag:s22] =	dma.local [hbm:s5], s20  }
0x9e: {  	_ =	swait.ge [sflag:s22], s20  }
0x9f: {  	s4 =	ssub.s32 $0x0, s20;
	[sflag:s22] =	ssyncset.done $0x0  }
0xa0: {  	[sflag:s22] =	ssyncadd.s32 s4;
	_ =	sdelay $0x1  }
0xa1: {  	s23 =	simm.s32 $0x1B8B  }
0xa2: {  	_ =	swait.ge [sflag:s23], $0x1  }
0xa3: {  	[sflag:s23] =	ssyncset.done $0x0  }
0xa4: {  	s25 =	simm.s32 $0x1B8E;
	s24 =	sld [smem:$0x3FFE];
	[sflag:s23] =	ssyncadd.s32 $0xFFFFFFFF  }
0xa5: {  	s26 =	simm.s32 $execute0_lowered;
	[smem:$0x3FD2] =	sst s25  }
0xa6: {  	s5 =	sshll.u32 s26, $0x1;
	_ =	strace $0x80000049;
	[dreg:$0x1] =	wrdreg $0xFFFFFFFF  }
0xa7: {  	s28 =	simm.s32 $_size_execute0_lowered;
	s3 =	sadd.s32 s3, s5;
	[dreg:$0x0] =	wrdreg $0x0  }
0xa8: {  	s5 =	sshll.u32 s28, $0x1;
	[dreg:$0x2] =	wrdreg s3  }
0xa9: {  	[dreg:$0x3] =	wrdreg s5  }
0xaa: {  	[dreg:$0x4] =	wrdreg $0xC0  }
0xab: {  	_ =	task [dreg:s7], $0x5FFFF  }
0xac: {  	[dreg:$0x1] =	wrdreg $0xFFFFFFFF  }
0xad: {  	[dreg:$0x0] =	wrdreg $0x60  }
0xae: {  	[dreg:$0x2] =	wrdreg s2  }
0xaf: {  	[dreg:$0x3] =	wrdreg s24  }
0xb0: {  	[dreg:$0x4] =	wrdreg $0x93000  }
0xb1: {  	[dreg:$0x5] =	wrdreg $0x1D3000  }
0xb2: {  	[dreg:$0x6] =	wrdreg $0x9  }
0xb3: {  	_ =	task.clear_ibuf [dreg:s7], $0x7FFFF;
	_ =	strace $0x90000049  }
0xb4: {  	s29 =	simm.s32 $0x9;
	_ =	strace $0x8000004B  }
0xb5: {  	_ =	swait.ge [sflag:s29], $0x1  }
0xb6: {  	[sflag:s29] =	ssyncadd.s32 $0xFFFFFFFF  }
0xb7: {  	_ =	strace $0x9000004B  }
0xb8: {  	_ =	sfence  }
0xb9: {  	s30 =	sld [smem:$0x0];
	_ =	sdelay $0x2  }
0xba: {  	s31 =	sshll.u32 s1, $0xD;
	s1 =	sshrl.u32 s1, $0x2  }
0xbb: {  	s3 =	sand.u32 $0x4000, s31;
	s1 =	sadd.s32 s1, s30  }
0xbc: {  	s0 =	sor.u32 s3, s0;
	s1 =	sshll.u32 s1, $0x11  }
0xbd: {  	s0 =	sor.u32 s1, s0  }
0xbe: {  	s0 =	sadd.s32 $0x8F2B, s0  }
0xbf: {  	[sflag:s0] =	ssyncadd.remote.s32 $0x1  }
0xc0: {  	_ =	sfence.sel $0xFFFF  }
0xc1: {  	[dreg:$0x0] =	wrdreg $0xFFFFFFFF;
	(pc) =	sbr.abs _section_cstart, $3  }
0xc2: {  	[dreg:$0x1] =	wrdreg $0xFFFFFFFF  }
0xc3: {  	_ =	task.clear_ibuf [dreg:s7], $0x2FFFF;
	_ =	strace $0x9FFFFFFF  }
0xc4: {  	(tm) =	ssettm $0x7FFFFFFF  }
0xc5: {  	_ =	shalt  }
tec
execute0_lowered:
.L_overlay_start_1:
0x0: {  	(tag) =	ssettag $0x1  }
0x1: {  	s0 =	rddreg [dreg:$0x0]  }
0x2: {  	s6 =	rddreg [dreg:$0x1]  }
0x3: {  	s3 =	rddreg [dreg:$0x2];
	s1 =	srdreg.scid  }
0x4: {  	s4 =	rddreg [dreg:$0x3];
	s2 =	stileid.u32;
	s5 =	simm.s32 $0x0  }
0x5: {  	s20 =	simm.s32 $0x5000;
	s21 =	simm.s32 $0x3;
	s22 =	simm.s32 $0x9080  }
0x6: {  	s23 =	simm.s32 $0x2800;
	s24 =	simm.s32 $0x80;
	s25 =	simm.s32 $0x1  }
0x7: {  	s28 =	simm.s32 $0x2;
	s29 =	simm.s32 $0x0;
	s9 =	smul.u32 $0x280, s2  }
0x8: {  	s7 =	sand.u32 $0x1, s1;
	[smem:$0x7FF] =	sst s5;
	s12 =	smul.u32 $0x50000, s2  }
0x9: {  	s8 =	sshll.u32 s7, $0x4;
	s10 =	smul.u32 $0x2800, s7;
	s7 =	ssub.s32 $0x2, s7  }
0xa: {  	_ =	strace $0x8000004A;
	s8 =	sor.u32 s2, s8;
	s26 =	sshrl.u32 s7, $0x1  }
0xb: {  	s30 =	sshrl.u32 s12, $0x2;
	s8 =	smul.u32 $0x500, s8;
	s10 =	sadd.s32 s9, s10  }
0xc: {  	s31 =	ssub.s32 s7, s26;
	s7 =	sadd.s32 s9, s4;
	s26 =	simm.s32 $0x9000  }
0xd: {  	s11 =	sshll.u32 s10, $0x4;
	s10 =	sshrl.u32 s10, $0x3;
	s8 =	sadd.s32 s8, s6  }
0xe: {  	s19 =	sadd.s32 s11, s6;
	s10 =	sadd.s32 s10, s6;
	s6 =	sadd.s32 s30, s3  }
0xf: {  	s8 =	sadd.s32 $0x2E00, s8;
	s9 =	sadd.s32 $0x34000, s10;
	s10 =	smax.u32 s31, $0x1  }
0x10: {  	s11 =	sadd.s32 $0x4000, s6;
	s12 =	sadd.s32 $0x8000, s6;
	s13 =	sadd.s32 $0xC000, s6  }
0x11: {  	s14 =	sadd.s32 $0x10000, s6;
	s15 =	sadd.s32 $0xAD800, s19;
	s16 =	sadd.s32 $0xAE000, s19  }
0x12: {  	v0 =	vimm.f32 $0.0e+00;
	v1 =	vimm.f32 $1.000000000e+00;
	s17 =	sadd.s32 $0xAE800, s19;
	s18 =	sadd.s32 $0xAF000, s19;
	s19 =	sadd.s32 $0xAF800, s19  }
.LBB2_1:
0x13: {  	s30 =	simm.s32 $0x0;
	s31 =	simm.s32 $0x200  }
.LBB2_2:
0x14: {  	p0 =	sne.s32 s31, $0xFE00;
	[tilespmem:s30+$0x5070] =	vst v0  }
0x15: {  	[tilespmem:s30+$0x5000] =	vst v0  }
0x16: {  	[tilespmem:s30+$0x5010] =	vst v0  }
.Ltmp0:
0x17: {  	[tilespmem:s30+$0x5020] =	vst v0;
	(pc) =	sbr.rel @p0 .LBB2_2-.Ltmp0, $4  }
0x18: {  	[tilespmem:s30+$0x5030] =	vst v0  }
0x19: {  	[tilespmem:s30+$0x5040] =	vst v0  }
0x1a: {  	[tilespmem:s30+$0x5050] =	vst v0  }
0x1b: {  	[tilespmem:s30+$0x5060] =	vst v0;
	s30 =	sshra.s32 s31, $0x2;
	s31 =	sadd.s32 $0x200, s31  }
0x1c: {  	[tilespmem:s30+$0x5070] =	vst v0  }
0x1d: {  	[tilespmem:s30+$0x5000] =	vst v0  }
0x1e: {  	[tilespmem:s30+$0x5010] =	vst v0  }
0x1f: {  	[tilespmem:s30+$0x5020] =	vst v0  }
0x20: {  	[tilespmem:s30+$0x5030] =	vst v0  }
0x21: {  	[tilespmem:s30+$0x5040] =	vst v0  }
0x22: {  	[tilespmem:s30+$0x5050] =	vst v0  }
0x23: {  	[tilespmem:s30+$0x5060] =	vst v0  }
0x24: {  	[tilespmem:$0x9000] =	vst v1  }
0x25: {  	[tilespmem:$0x9010] =	vst v1  }
0x26: {  	[tilespmem:$0x9020] =	vst v1  }
0x27: {  	[tilespmem:$0x9030] =	vst v1  }
0x28: {  	[tilespmem:$0x9040] =	vst v1  }
0x29: {  	[tilespmem:$0x9050] =	vst v1  }
0x2a: {  	[tilespmem:$0x9060] =	vst v1  }
0x2b: {  	[tilespmem:$0x9070] =	vst v1  }
0x2c: {  	[tilespmem:$0x9080] =	vst v0  }
0x2d: {  	[tilespmem:$0x9090] =	vst v0  }
0x2e: {  	[tilespmem:$0x90A0] =	vst v0  }
0x2f: {  	[tilespmem:$0x90B0] =	vst v0  }
0x30: {  	[tilespmem:$0x90C0] =	vst v0  }
0x31: {  	[tilespmem:$0x90D0] =	vst v0  }
0x32: {  	[tilespmem:$0x90E0] =	vst v0  }
0x33: {  	[tilespmem:$0x90F0] =	vst v0  }
0x34: {  	[tilespmem:$0x9100] =	vst v0  }
0x35: {  	[tilespmem:$0x9110] =	vst v0  }
0x36: {  	[tilespmem:$0x9120] =	vst v0  }
0x37: {  	[tilespmem:$0x9130] =	vst v0  }
0x38: {  	[tilespmem:$0x9140] =	vst v0  }
0x39: {  	[tilespmem:$0x9150] =	vst v0  }
0x3a: {  	[tilespmem:$0x9160] =	vst v0  }
0x3b: {  	[tilespmem:$0x9170] =	vst v0  }
0x3c: {  	[tilespmem:$0x9180] =	vst v0  }
0x3d: {  	[tilespmem:$0x9190] =	vst v0  }
0x3e: {  	[tilespmem:$0x91A0] =	vst v0  }
0x3f: {  	[tilespmem:$0x91B0] =	vst v0  }
0x40: {  	[tilespmem:$0x91C0] =	vst v0  }
0x41: {  	[tilespmem:$0x91D0] =	vst v0  }
0x42: {  	[tilespmem:$0x91E0] =	vst v0  }
0x43: {  	[tilespmem:$0x91F0] =	vst v0  }
0x44: {  	[tilespmem:$0x9200] =	vst v0  }
0x45: {  	[tilespmem:$0x9210] =	vst v0  }
0x46: {  	[tilespmem:$0x9220] =	vst v0  }
0x47: {  	[tilespmem:$0x9230] =	vst v0  }
0x48: {  	[tilespmem:$0x9240] =	vst v0  }
0x49: {  	[tilespmem:$0x9250] =	vst v0  }
0x4a: {  	[tilespmem:$0x9260] =	vst v0  }
0x4b: {  	[tilespmem:$0x9270] =	vst v0  }
0x4c: {  	[tilespmem:$0x9280] =	vst v0  }
0x4d: {  	[tilespmem:$0x9290] =	vst v0  }
0x4e: {  	[tilespmem:$0x92A0] =	vst v0  }
0x4f: {  	[tilespmem:$0x92B0] =	vst v0  }
0x50: {  	[tilespmem:$0x92C0] =	vst v0  }
0x51: {  	[tilespmem:$0x92D0] =	vst v0  }
0x52: {  	[tilespmem:$0x92E0] =	vst v0  }
0x53: {  	[tilespmem:$0x92F0] =	vst v0  }
0x54: {  	[spmem:s6] =	stream.linear.scatter [tilespmem:s20], [sflag:$0x3], $0x4000, $0x38;
	[tilespmem:$0x1D580] =	vst v63  }
0x55: {  	_ =	swait.ge [sflag:s21], $0x4000  }
0x56: {  	[sflag:s21] =	ssyncset.done $0x0  }
0x57: {  	[sflag:s21] =	ssyncadd.s32 $0xFFFFC000  }
0x58: {  	[spmem:s11] =	stream.linear.scatter [tilespmem:s20], [sflag:$0x3], $0x4000, $0x38;
	[tilespmem:$0x1D580] =	vst v63  }
0x59: {  	_ =	swait.ge [sflag:s21], $0x4000  }
0x5a: {  	[sflag:s21] =	ssyncset.done $0x0  }
0x5b: {  	[sflag:s21] =	ssyncadd.s32 $0xFFFFC000  }
0x5c: {  	[spmem:s12] =	stream.linear.scatter [tilespmem:s20], [sflag:$0x3], $0x4000, $0x38;
	[tilespmem:$0x1D580] =	vst v63  }
0x5d: {  	_ =	swait.ge [sflag:s21], $0x4000  }
0x5e: {  	[sflag:s21] =	ssyncset.done $0x0  }
0x5f: {  	[sflag:s21] =	ssyncadd.s32 $0xFFFFC000  }
0x60: {  	[spmem:s13] =	stream.linear.scatter [tilespmem:s20], [sflag:$0x3], $0x4000, $0x38;
	[tilespmem:$0x1D580] =	vst v63  }
0x61: {  	_ =	swait.ge [sflag:s21], $0x4000  }
0x62: {  	[sflag:s21] =	ssyncset.done $0x0  }
0x63: {  	[sflag:s21] =	ssyncadd.s32 $0xFFFFC000  }
0x64: {  	[spmem:s14] =	stream.linear.scatter [tilespmem:s20], [sflag:$0x3], $0x4000, $0x38;
	[tilespmem:$0x1D580] =	vst v63  }
0x65: {  	_ =	swait.ge [sflag:s21], $0x4000  }
0x66: {  	[sflag:s21] =	ssyncset.done $0x0  }
0x67: {  	[sflag:s21] =	ssyncadd.s32 $0xFFFFC000  }
0x68: {  	[spmem:s7] =	stream.linear.scatter [tilespmem:s22], [sflag:$0x3], $0x280, $0x38;
	[tilespmem:$0x1D580] =	vst v63  }
0x69: {  	_ =	swait.ge [sflag:s21], $0x280  }
0x6a: {  	[sflag:s21] =	ssyncset.done $0x0  }
0x6b: {  	s30 =	simm.s32 $0x0;
	[sflag:s21] =	ssyncadd.s32 $0xFFFFFD80  }
0x6c: {  	[tilespmem:s23], [sflag:$0x3] =	stream.linear.gather [hbm4b:s8+s30], $0x2800, $0x38;
	[tilespmem:$0x1D580] =	vst v63  }
0x6d: {  	_ =	swait.ge [sflag:s21], $0x2800  }
0x6e: {  	[sflag:s21] =	ssyncset.done $0x0  }
0x6f: {  	s30 =	simm.s32 $0x0;
	[sflag:s21] =	ssyncadd.s32 $0xFFFFD800  }
0x70: {  	v2 =	vld [tilespmem:s30+$0x2800]  }
0x71: {  	v8 =	vld [tilespmem:s30+$0x2810]  }
0x72: {  	v7 =	vld [tilespmem:s30+$0x2820]  }
0x73: {  	v6 =	vld [tilespmem:s30+$0x2830]  }
0x74: {  	v4 =	vld [tilespmem:s30+$0x2840]  }
0x75: {  	v5 =	vld [tilespmem:s30+$0x2850];
	v3 =	vand.u32 $0x3FFF, v2  }
0x76: {  	s31 =	simm.s32 $0x200;
	v2 =	vshrl.u32 v2, $0xE;
	v9 =	vand.u32 $0x3FFF, v8;
	[tilespmem:s30+$0x2800] =	vst v3;
	v3 =	vshrl.u32 v8, $0xE;
	v8 =	vld [tilespmem:s30+$0x2860]  }
.LBB2_4:
0x77: {  	p0 =	sne.s32 s31, $0x9E00;
	[tilespmem:s30+$0x2810] =	vst v9;
	v9 =	vshrl.u32 v7, $0xE;
	v7 =	vand.u32 $0x3FFF, v7;
	v10 =	vld [tilespmem:s30+$0x2870]  }
0x78: {  	[tilespmem:s30+$0x2820] =	vst v7;
	v7 =	vshrl.u32 v6, $0xE;
	v6 =	vand.u32 $0x3FFF, v6  }
0x79: {  	[tilespmem:s30+$0x2830] =	vst v6;
	v6 =	vshrl.u32 v4, $0xE;
	v4 =	vand.u32 $0x3FFF, v4  }
0x7a: {  	[tilespmem:s30+$0x2840] =	vst v4;
	v4 =	vshrl.u32 v5, $0xE;
	v5 =	vand.u32 $0x3FFF, v5  }
0x7b: {  	[tilespmem:s30+$0x2850] =	vst v5;
	v5 =	vshrl.u32 v8, $0xE;
	v8 =	vand.u32 $0x3FFF, v8  }
0x7c: {  	[tilespmem:s30+$0x2860] =	vst v8;
	v8 =	vshrl.u32 v10, $0xE;
	v10 =	vand.u32 $0x3FFF, v10  }
0x7d: {  	[tilespmem:s30+$0x2870] =	vst v10  }
0x7e: {  	[tilespmem:s30+$0x0] =	vst v2  }
0x7f: {  	s1 =	sshra.s32 s31, $0x2;
	[tilespmem:s30+$0x10] =	vst v3  }
0x80: {  	v3 =	vld [tilespmem:s1+$0x2800];
	[tilespmem:s30+$0x20] =	vst v9  }
0x81: {  	v9 =	vld [tilespmem:s1+$0x2810];
	[tilespmem:s30+$0x30] =	vst v7  }
.Ltmp1:
0x82: {  	v7 =	vld [tilespmem:s1+$0x2820];
	[tilespmem:s30+$0x40] =	vst v6;
	(pc) =	sbr.rel @p0 .LBB2_4-.Ltmp1, $4  }
0x83: {  	v6 =	vld [tilespmem:s1+$0x2830];
	[tilespmem:s30+$0x50] =	vst v4  }
0x84: {  	v4 =	vld [tilespmem:s1+$0x2840];
	[tilespmem:s30+$0x60] =	vst v5  }
0x85: {  	v2 =	vshrl.u32 v3, $0xE;
	v3 =	vand.u32 $0x3FFF, v3;
	v5 =	vld [tilespmem:s1+$0x2850];
	[tilespmem:s30+$0x70] =	vst v8;
	s30 =	smov.u32 s1  }
0x86: {  	s31 =	sadd.s32 $0x200, s31;
	[tilespmem:s30+$0x2800] =	vst v3;
	v3 =	vshrl.u32 v9, $0xE;
	v9 =	vand.u32 $0x3FFF, v9;
	v8 =	vld [tilespmem:s30+$0x2860]  }
0x87: {  	[tilespmem:s30+$0x2810] =	vst v9  }
0x88: {  	[tilespmem:s30+$0x0] =	vst v2  }
0x89: {  	v58 =	vand.u32 $0x3FFF, v7;
	[tilespmem:s30+$0x10] =	vst v3  }
0x8a: {  	v2 =	vshrl.u32 v7, $0xE;
	[tilespmem:s30+$0x2820] =	vst v58  }
0x8b: {  	v59 =	vand.u32 $0x3FFF, v6;
	[tilespmem:s30+$0x20] =	vst v2  }
0x8c: {  	v3 =	vshrl.u32 v6, $0xE;
	[tilespmem:s30+$0x2830] =	vst v59  }
0x8d: {  	v60 =	vand.u32 $0x3FFF, v4;
	[tilespmem:s30+$0x30] =	vst v3  }
0x8e: {  	v10 =	vld [tilespmem:s30+$0x2870];
	v2 =	vshrl.u32 v4, $0xE;
	[tilespmem:s30+$0x2840] =	vst v60  }
0x8f: {  	v61 =	vand.u32 $0x3FFF, v5;
	[tilespmem:s30+$0x40] =	vst v2  }
0x90: {  	v3 =	vshrl.u32 v5, $0xE;
	[tilespmem:s30+$0x2850] =	vst v61  }
0x91: {  	v62 =	vand.u32 $0x3FFF, v8;
	[tilespmem:s30+$0x50] =	vst v3  }
0x92: {  	v2 =	vshrl.u32 v8, $0xE;
	[tilespmem:s30+$0x2860] =	vst v62  }
0x93: {  	v63 =	vand.u32 $0x3FFF, v10;
	[tilespmem:s30+$0x60] =	vst v2  }
0x94: {  	v3 =	vshrl.u32 v10, $0xE;
	[tilespmem:s30+$0x2870] =	vst v63  }
0x95: {  	[tilespmem:s30+$0x70] =	vst v3  }
0x96: {  	s1 =	simm.s32 $0x0;
	[bflag:$0x0] =	sbarrier.arrive $0xFFFF  }
0x97: {  	[tilespmem:s20], [sflag:$0x1] =	stream.indirect.gather [hbm4b:s0+s24], $0x80, s1, s24, $0xb8;
	[tilespmem:$0x1D580] =	vst v63  }
0x98: {  	_ =	swait.ge [sflag:s25], $0x4000  }
0x99: {  	[sflag:s25] =	ssyncset.done $0x0  }
0x9a: {  	s31 =	simm.s32 $0x2800;
	[sflag:s25] =	ssyncadd.s32 $0xFFFFC000  }
0x9b: {  	[spmem:s4] =	stream.indirect.scatter.add.f32 [tilespmem:s26], [sflag:$0x2], $0x1, s31, s24, $0xb8;
	[tilespmem:$0x1D580] =	vst v63  }
0x9c: {  	_ = 	snop  }
0x9d: {  	[spmem:s3] =	stream.indirect.scatter.add.f32 [tilespmem:s20], [sflag:$0x3], $0x80, s31, s24, $0xb8;
	[tilespmem:$0x1D580] =	vst v63  }
0x9e: {  	_ =	swait.ge [sflag:s21], $0x4000  }
0x9f: {  	s30 =	simm.s32 $0x200;
	[sflag:s21] =	ssyncset.done $0x0  }
.LBB2_6:
0xa0: {  	p0 =	sne.s32 s30, $0x9E00  }
0xa1: {  	[sflag:s21] =	ssyncadd.s32 $0xFFFFC000;
	s1 =	smov.u32 s30;
	s30 =	sadd.s32 $0x200, s30  }
0xa2: {  	s1 =	sshra.s32 s1, $0x2  }
0xa3: {  	[tilespmem:s20], [sflag:$0x1] =	stream.indirect.gather [hbm4b:s0+s24], $0x80, s1, s24, $0xb8;
	[tilespmem:$0x1D580] =	vst v63  }
0xa4: {  	_ =	swait.ge [sflag:s25], $0x4000  }
0xa5: {  	[sflag:s25] =	ssyncset.done $0x0  }
0xa6: {  	s1 =	sadd.s32 $0x2800, s1;
	[sflag:s25] =	ssyncadd.s32 $0xFFFFC000  }
0xa7: {  	[spmem:s4] =	stream.indirect.scatter.add.f32 [tilespmem:s26], [sflag:$0x2], $0x1, s1, s24, $0xb8;
	[tilespmem:$0x1D580] =	vst v63  }
.Ltmp2:
0xa8: {  	_ = 	snop;
	(pc) =	sbr.rel @p0 .LBB2_6-.Ltmp2, $4  }
0xa9: {  	_ = 	snop  }
0xaa: {  	[spmem:s3] =	stream.indirect.scatter.add.f32 [tilespmem:s20], [sflag:$0x3], $0x80, s1, s24, $0xb8;
	[tilespmem:$0x1D580] =	vst v63  }
0xab: {  	_ =	swait.ge [sflag:s21], $0x4000  }
0xac: {  	[sflag:s21] =	ssyncset.done $0x0  }
0xad: {  	[sflag:s21] =	ssyncadd.s32 $0xFFFFC000  }
0xae: {  	_ =	swait.ge [sflag:s28], $0x80  }
0xaf: {  	s30 =	simm.s32 $0x4F;
	[sflag:s28] =	ssyncset.done $0x0  }
.LBB2_8:
0xb0: {  	p0 =	sne.s32 s30, $0x1;
	s30 =	sadd.s32 $0xFFFFFFFF, s30;
	[sflag:s28] =	ssyncadd.s32 $0xFFFFFF80  }
.Ltmp3:
0xb1: {  	(pc) =	sbr.rel @p0 .LBB2_8-.Ltmp3, $3  }
0xb2: {  	_ =	sdelay $0x1  }
0xb3: {  	_ =	swait.ge [sflag:s28], $0x80  }
0xb4: {  	[sflag:s28] =	ssyncset.done $0x0  }
0xb5: {  	[sflag:s28] =	ssyncadd.s32 $0xFFFFFF80  }
0xb6: {  	[bflag:$0x0] =	sbarrier.arrive $0xFFFF  }
0xb7: {  	[tilespmem:s20], [sflag:$0x3] =	stream.linear.gather [spmem:s6], $0x4000, $0x38;
	[tilespmem:$0x1D580] =	vst v63  }
0xb8: {  	_ =	swait.ge [sflag:s21], $0x4000  }
0xb9: {  	[sflag:s21] =	ssyncset.done $0x0  }
0xba: {  	[sflag:s21] =	ssyncadd.s32 $0xFFFFC000  }
0xbb: {  	[hbm4b:s15+s5] =	stream.linear.scatter [tilespmem:s20], [sflag:$0x3], $0x4000, $0x38;
	[tilespmem:$0x1D580] =	vst v63  }
0xbc: {  	_ =	swait.ge [sflag:s21], $0x4000  }
0xbd: {  	[sflag:s21] =	ssyncset.done $0x0  }
0xbe: {  	[sflag:s21] =	ssyncadd.s32 $0xFFFFC000  }
0xbf: {  	[tilespmem:s20], [sflag:$0x3] =	stream.linear.gather [spmem:s11], $0x4000, $0x38;
	[tilespmem:$0x1D580] =	vst v63  }
0xc0: {  	_ =	swait.ge [sflag:s21], $0x4000  }
0xc1: {  	[sflag:s21] =	ssyncset.done $0x0  }
0xc2: {  	[sflag:s21] =	ssyncadd.s32 $0xFFFFC000  }
0xc3: {  	[hbm4b:s16+s5] =	stream.linear.scatter [tilespmem:s20], [sflag:$0x3], $0x4000, $0x38;
	[tilespmem:$0x1D580] =	vst v63  }
0xc4: {  	_ =	swait.ge [sflag:s21], $0x4000  }
0xc5: {  	[sflag:s21] =	ssyncset.done $0x0  }
0xc6: {  	[sflag:s21] =	ssyncadd.s32 $0xFFFFC000  }
0xc7: {  	[tilespmem:s20], [sflag:$0x3] =	stream.linear.gather [spmem:s12], $0x4000, $0x38;
	[tilespmem:$0x1D580] =	vst v63  }
0xc8: {  	_ =	swait.ge [sflag:s21], $0x4000  }
0xc9: {  	[sflag:s21] =	ssyncset.done $0x0  }
0xca: {  	[sflag:s21] =	ssyncadd.s32 $0xFFFFC000  }
0xcb: {  	[hbm4b:s17+s5] =	stream.linear.scatter [tilespmem:s20], [sflag:$0x3], $0x4000, $0x38;
	[tilespmem:$0x1D580] =	vst v63  }
0xcc: {  	_ =	swait.ge [sflag:s21], $0x4000  }
0xcd: {  	[sflag:s21] =	ssyncset.done $0x0  }
0xce: {  	[sflag:s21] =	ssyncadd.s32 $0xFFFFC000  }
0xcf: {  	[tilespmem:s20], [sflag:$0x3] =	stream.linear.gather [spmem:s13], $0x4000, $0x38;
	[tilespmem:$0x1D580] =	vst v63  }
0xd0: {  	_ =	swait.ge [sflag:s21], $0x4000  }
0xd1: {  	[sflag:s21] =	ssyncset.done $0x0  }
0xd2: {  	[sflag:s21] =	ssyncadd.s32 $0xFFFFC000  }
0xd3: {  	[hbm4b:s18+s5] =	stream.linear.scatter [tilespmem:s20], [sflag:$0x3], $0x4000, $0x38;
	[tilespmem:$0x1D580] =	vst v63  }
0xd4: {  	_ =	swait.ge [sflag:s21], $0x4000  }
0xd5: {  	[sflag:s21] =	ssyncset.done $0x0  }
0xd6: {  	[sflag:s21] =	ssyncadd.s32 $0xFFFFC000  }
0xd7: {  	[tilespmem:s20], [sflag:$0x3] =	stream.linear.gather [spmem:s14], $0x4000, $0x38;
	[tilespmem:$0x1D580] =	vst v63  }
0xd8: {  	_ =	swait.ge [sflag:s21], $0x4000  }
0xd9: {  	[sflag:s21] =	ssyncset.done $0x0  }
0xda: {  	[sflag:s21] =	ssyncadd.s32 $0xFFFFC000  }
0xdb: {  	[hbm4b:s19+s5] =	stream.linear.scatter [tilespmem:s20], [sflag:$0x3], $0x4000, $0x38;
	[tilespmem:$0x1D580] =	vst v63  }
0xdc: {  	_ =	swait.ge [sflag:s21], $0x4000  }
0xdd: {  	[sflag:s21] =	ssyncset.done $0x0  }
0xde: {  	[sflag:s21] =	ssyncadd.s32 $0xFFFFC000  }
0xdf: {  	[tilespmem:s22], [sflag:$0x3] =	stream.linear.gather [spmem:s7], $0x280, $0x38;
	[tilespmem:$0x1D580] =	vst v63  }
0xe0: {  	s29 =	sadd.s32 $0x1, s29;
	_ =	swait.ge [sflag:s21], $0x280  }
0xe1: {  	p0 =	sne.s32 s29, s10;
	[sflag:s21] =	ssyncset.done $0x0  }
.Ltmp4:
0xe2: {  	[sflag:s21] =	ssyncadd.s32 $0xFFFFFD80;
	(pc) =	sbr.rel @p0 .LBB2_1-.Ltmp4, $4  }
0xe3: {  	[hbm4b:s9+s5] =	stream.linear.scatter [tilespmem:s22], [sflag:$0x3], $0x280, $0x38;
	[tilespmem:$0x1D580] =	vst v63  }
0xe4: {  	_ =	swait.ge [sflag:s21], $0x280  }
0xe5: {  	[sflag:s21] =	ssyncset.done $0x0  }
0xe6: {  	[sflag:s21] =	ssyncadd.s32 $0xFFFFFD80  }
0xe7: {  	_ =	sfence.sel $0x180000  }
0xe8: {  	[bflag:$0x0] =	sbarrier.arrive $0xFFFF  }
0xe9: {  	_ =	strace $0x9000004A  }
0xea: {  	[bflag:$0x2] =	sbarrier.arrive $0xFFFF  }
0xeb: {  	p0 =	sne.s32 s2, $0x0;
	s0 =	rddreg [dreg:$0x4]  }
0xec: {  	s0 =	sadd.s32 @!p0 $0x100000, s0  }
0xed: {  	[sflag:s0] =	ssyncadd.tile.s32 @!p0 $0x1;
	_ =	shalt  }
.Lfunc_end2:
_tile_overlayer_lowered:
.L_overlay_start_2:
0xee: {  	(tag) =	ssettag $0x2  }
0xef: {  	s0 =	rddreg [dreg:$0x0];
	s2 =	stileid.u32  }
0xf0: {  	s1 =	rddreg [dreg:$0x1];
	p0 =	sne.s32 s2, $0x0  }
0xf1: {  	s3 =	rddreg [dreg:$0x2];
	[bflag:$0x3] =	sbarrier.arrive $0xFFFF;
	s2 =	simm.s32 @!p0 $0x1C03  }
0xf2: {  	[timem:s3], [sflag:s2] =	dma.local @!p0 [hbm:s0], s1  }
0xf3: {  	s0 =	simm.s32 @!p0 $0x3  }
0xf4: {  	_ =	swait.ge @!p0 [sflag:s0], s1  }
0xf5: {  	s1 =	ssub.s32 @!p0 $0x0, s1;
	[sflag:s0] =	ssyncset.done @!p0 $0x0  }
0xf6: {  	[sflag:s0] =	ssyncadd.s32 @!p0 s1  }
0xf7: {  	[bflag:$0x3] =	sbarrier.arrive $0xFFFF  }
0xf8: {  	_ =	shalt  }

// kernel: kernel.7.cloned.1.call-start
scs
__scs_entry_jumppad:
0x0: {  	(pc) =	sbr.rel $0x88, $3  }
0x1: {  	(tag) =	ssettag $0x0;
	lr =	simm.s32 $0x1  }
0x2: {  	[smem:$0x3F96] =	sst lr;
	_ =	strace $0xD0000000  }
0x3: {  	_ = 	snop  }
0x4: {  	_ = 	snop  }
0x5: {  	_ = 	snop  }
0x6: {  	_ = 	snop  }
0x7: {  	_ = 	snop  }
__scs_overlays_trampoline_lowered:
0x8: {  	[smem:$0x3FA5] =	sst s0  }
0x9: {  	[smem:$0x3FA6] =	sst s1  }
0xa: {  	[smem:$0x3FA7] =	sst s2  }
0xb: {  	[smem:$0x3FA8] =	sst s3  }
0xc: {  	[smem:$0x3FA9] =	sst s4  }
0xd: {  	[smem:$0x3FAA] =	sst s5  }
0xe: {  	[smem:$0x3FAB] =	sst s6  }
0xf: {  	[smem:$0x3FAC] =	sst s7  }
0x10: {  	[smem:$0x3FAD] =	sst s8  }
0x11: {  	[smem:$0x3FAE] =	sst s9;
	s0 =	simm.s32 @!p0 $0x0  }
0x12: {  	s1 =	sld [smem:$0x3F94];
	s0 =	simm.s32 @p0 $0x1  }
0x13: {  	[smem:$0x3FAF] =	sst s0;
	s0 =	simm.s32 @!p1 $0x0  }
0x14: {  	s2 =	sld [smem:$0x3F93];
	s0 =	simm.s32 @p1 $0x1  }
0x15: {  	[smem:$0x3FB0] =	sst s0;
	s0 =	simm.s32 @!p2 $0x0  }
0x16: {  	s3 =	sld [smem:$0x3FDB];
	s0 =	simm.s32 @p2 $0x1  }
0x17: {  	s4 =	simm.s32 $0x1BF5;
	[smem:$0x3FB2] =	sst s0  }
0x18: {  	s0 =	sld [smem:$0x3F95];
	_ =	swait.ge [sflag:s4], $0x0  }
0x19: {  	s7 =	sld [smem:$0x3F96]  }
0x1a: {  	s8 =	sadd.s32 $0xFFFFE003, lr  }
0x1b: {  	s9 =	sadd.s32 $0xFFFFFEF7, lr;
	s5 =	simm.s32 $0xFFFFFFFF;
	p2 =	slt.u32 s8, $0xFFFFF086  }
0x1c: {  	p1 =	slt.u32 s9, $0xF7A;
	s5 =	simm.s32 @!p2 $0x0  }
0x1d: {  	s5 =	simm.s32 @p1 $0x1;
	p0 =	seq.s32 s7, s2  }
0x1e: {  	s7 =	smul.u32 @!p0 $0xF7A, s2;
	p2 =	seq.s32 @!p0 s5, $0x0  }
0x1f: {  	s9 =	smul.u32 $0xF7A, s1;
	s8 =	simm.s32 @!p0 $0x1BF5;
	p2 =	por !p2, p0  }
0x20: {  	[sflag:s8] =	ssyncset.s32 @!p0 $0xFFFFF086;
	s6 =	sadd.s32 @!p0 s3, s7;
	s7 =	simm.s32 @!p0 $0x108  }
0x21: {  	s3 =	sadd.s32 s3, s9;
	s6 =	sadd.s32 @!p0 $0x88, s6;
	s7 =	simm.s32 @p2 $0x1082  }
0x22: {  	[simem:s7], [sflag:s8] =	dma.local @!p0 [hbm:s6], $0xF7A  }
0x23: {  	s9 =	sor.u32 $0xD0000000, s2;
	s6 =	simm.s32 $0x108;
	_ =	swait.ge @!p0 [sflag:s8], $0x0  }
0x24: {  	s3 =	sadd.s32 $0x88, s3;
	s6 =	simm.s32 @!p1 $0x1082;
	[sflag:s4] =	ssyncset.s32 $0xFFFFF086  }
0x25: {  	[simem:s6], [sflag:s4] =	dma.local [hbm:s3], $0xF7A  }
0x26: {  	[smem:$0x3F96] =	sst s1;
	(tag) =	ssettag s2;
	_ =	strace s9  }
0x27: {  	s1 =	sld [smem:$0x3FA6]  }
0x28: {  	s2 =	sld [smem:$0x3FA7]  }
0x29: {  	s4 =	sld [smem:$0x3FA9]  }
0x2a: {  	p0 =	seq.s32 s5, $0x0;
	s5 =	sld [smem:$0x3FAA]  }
0x2b: {  	s6 =	sld [smem:$0x3FAB]  }
0x2c: {  	s7 =	sld [smem:$0x3FAC]  }
0x2d: {  	s3 =	simm.s32 $0x108;
	s8 =	sld [smem:$0x3FAD]  }
0x2e: {  	s3 =	simm.s32 @!p0 $0x1082;
	s9 =	sld [smem:$0x3FAE]  }
0x2f: {  	lr =	sadd.s32 s0, s3;
	s0 =	sld [smem:$0x3FA5]  }
0x30: {  	s3 =	sld [smem:$0x3FA8]  }
0x31: {  	[smem:$0x3FB1] =	sst s10  }
0x32: {  	s10 =	sld [smem:$0x3FAF];
	_ =	sdelay $0x3  }
0x33: {  	p0 =	seq.s32 s10, $0x1;
	s10 =	sld [smem:$0x3FB1];
	_ =	sdelay $0x3  }
0x34: {  	[smem:$0x3FB1] =	sst s10  }
0x35: {  	s10 =	sld [smem:$0x3FB0];
	_ =	sdelay $0x3  }
0x36: {  	p1 =	seq.s32 s10, $0x1;
	s10 =	sld [smem:$0x3FB1];
	_ =	sdelay $0x3  }
0x37: {  	[smem:$0x3FB1] =	sst s10  }
0x38: {  	s10 =	sld [smem:$0x3FB2]  }
0x39: {  	_ = 	snop;
	(pc) =	sbr.ind lr, $3  }
0x3a: {  	_ = 	snop  }
0x3b: {  	_ = 	snop  }
0x3c: {  	p2 =	seq.s32 s10, $0x1;
	s10 =	sld [smem:$0x3FB1]  }
0x3d: {  	_ =	shalt  }
0x3e: {  	_ =	shalt  }
0x3f: {  	_ =	shalt  }
0x40: {  	_ =	shalt  }
0x41: {  	_ =	shalt  }
0x42: {  	_ =	shalt  }
0x43: {  	_ =	shalt  }
0x44: {  	_ =	shalt  }
0x45: {  	_ =	shalt  }
0x46: {  	_ =	shalt  }
0x47: {  	_ =	shalt  }
0x48: {  	_ =	shalt  }
0x49: {  	_ =	shalt  }
0x4a: {  	_ =	shalt  }
0x4b: {  	_ =	shalt  }
0x4c: {  	_ =	shalt  }
0x4d: {  	_ =	shalt  }
0x4e: {  	_ =	shalt  }
0x4f: {  	_ =	shalt  }
0x50: {  	_ =	shalt  }
0x51: {  	_ =	shalt  }
0x52: {  	_ =	shalt  }
0x53: {  	_ =	shalt  }
0x54: {  	_ =	shalt  }
0x55: {  	_ =	shalt  }
0x56: {  	_ =	shalt  }
0x57: {  	_ =	shalt  }
0x58: {  	_ =	shalt  }
0x59: {  	_ =	shalt  }
0x5a: {  	_ =	shalt  }
0x5b: {  	_ =	shalt  }
0x5c: {  	_ =	shalt  }
0x5d: {  	_ =	shalt  }
0x5e: {  	_ =	shalt  }
0x5f: {  	_ =	shalt  }
0x60: {  	_ =	shalt  }
0x61: {  	_ =	shalt  }
0x62: {  	_ =	shalt  }
0x63: {  	_ =	shalt  }
0x64: {  	_ =	shalt  }
0x65: {  	_ =	shalt  }
0x66: {  	_ =	shalt  }
0x67: {  	_ =	shalt  }
0x68: {  	_ =	shalt  }
0x69: {  	_ =	shalt  }
0x6a: {  	_ =	shalt  }
0x6b: {  	_ =	shalt  }
0x6c: {  	_ =	shalt  }
0x6d: {  	_ =	shalt  }
0x6e: {  	_ =	shalt  }
0x6f: {  	_ =	shalt  }
0x70: {  	_ =	shalt  }
0x71: {  	_ =	shalt  }
0x72: {  	_ =	shalt  }
0x73: {  	_ =	shalt  }
0x74: {  	_ =	shalt  }
0x75: {  	_ =	shalt  }
0x76: {  	_ =	shalt  }
0x77: {  	_ =	shalt  }
0x78: {  	_ =	shalt  }
0x79: {  	_ =	shalt  }
0x7a: {  	_ =	shalt  }
0x7b: {  	_ =	shalt  }
0x7c: {  	_ =	shalt  }
0x7d: {  	_ =	shalt  }
0x7e: {  	_ =	shalt  }
0x7f: {  	_ =	shalt  }
0x80: {  	_ =	shalt  }
0x81: {  	_ =	shalt  }
0x82: {  	_ =	shalt  }
0x83: {  	_ =	shalt  }
0x84: {  	_ =	shalt  }
0x85: {  	_ =	shalt  }
0x86: {  	_ =	shalt  }
0x87: {  	_ =	shalt  }
.Lfunc_end0:
.L_simem_size_0:
called_computation_lowered:
.L_overlay_start_0:
0x88: {  	s2 =	sld [smem:$0x3FD9]  }
0x89: {  	s3 =	sld [smem:$0x3FFE];
	_ =	sdelay $0x1  }
0x8a: {  	s1 =	srdreg.scid  }
0x8b: {  	s0 =	sand.u32 $0x1, s1  }
0x8c: {  	s17 =	sshll.u32 s0, $0xA;
	s2 =	sadd.s32 s3, s2  }
0x8d: {  	s2 =	sadd.s32 s2, s17  }
0x8e: {  	[smem:$0x3FBD] =	sst s2  }
0x8f: {  	_ = 	snop  }
0x90: {  	s2 =	sld [smem:$0x3FD0];
	(tm) =	ssettm $0x1  }
0x91: {  	s18 =	sld [smem:$0x3FFB];
	_ =	sdelay $0x3  }
0x92: {  	_ =	strace s18  }
0x93: {  	s3 =	sld [smem:$0x3FFC];
	_ =	sdelay $0x3  }
0x94: {  	_ =	strace s3  }
0x95: {  	s3 =	sld [smem:$0x3FFD];
	_ =	sdelay $0x3  }
0x96: {  	_ =	strace s3  }
0x97: {  	_ =	strace $0x8FFFFFFF  }
0x98: {  	s19 =	sld [smem:$0x3FDB];
	_ =	sdelay $0x1  }
0x99: {  	s4 =	simm.s32 $_scs_section_size  }
0x9a: {  	s5 =	simm.s32 $_size__tile_overlayer_lowered;
	s6 =	simm.s32 $_tile_overlayer_lowered  }
0x9b: {  	s22 =	simm.s32 $0x1BFF;
	s21 =	sshll.u32 s6, $0x1;
	s3 =	sadd.s32 s4, s19  }
0x9c: {  	s7 =	simm.s32 $0x0;
	s20 =	sshll.u32 s5, $0x1;
	s5 =	sadd.s32 s21, s3  }
0x9d: {  	[timem:s7], [sflag:s22] =	dma.local [hbm:s5], s20  }
0x9e: {  	_ =	swait.ge [sflag:s22], s20  }
0x9f: {  	s4 =	ssub.s32 $0x0, s20;
	[sflag:s22] =	ssyncset.done $0x0  }
0xa0: {  	[sflag:s22] =	ssyncadd.s32 s4;
	_ =	sdelay $0x1  }
0xa1: {  	s23 =	simm.s32 $0x1B8B  }
0xa2: {  	_ =	swait.ge [sflag:s23], $0x1  }
0xa3: {  	[sflag:s23] =	ssyncset.done $0x0  }
0xa4: {  	s25 =	simm.s32 $0x1B8E;
	s24 =	sld [smem:$0x3FFE];
	[sflag:s23] =	ssyncadd.s32 $0xFFFFFFFF  }
0xa5: {  	s26 =	simm.s32 $execute0_lowered;
	[smem:$0x3FD2] =	sst s25  }
0xa6: {  	s5 =	sshll.u32 s26, $0x1;
	_ =	strace $0x80000046;
	[dreg:$0x1] =	wrdreg $0xFFFFFFFF  }
0xa7: {  	s28 =	simm.s32 $_size_execute0_lowered;
	s3 =	sadd.s32 s3, s5;
	[dreg:$0x0] =	wrdreg $0x0  }
0xa8: {  	s5 =	sshll.u32 s28, $0x1;
	[dreg:$0x2] =	wrdreg s3  }
0xa9: {  	[dreg:$0x3] =	wrdreg s5  }
0xaa: {  	[dreg:$0x4] =	wrdreg $0xC0  }
0xab: {  	_ =	task [dreg:s7], $0x5FFFF  }
0xac: {  	[dreg:$0x1] =	wrdreg $0xFFFFFFFF  }
0xad: {  	[dreg:$0x0] =	wrdreg $0x60  }
0xae: {  	[dreg:$0x2] =	wrdreg s2  }
0xaf: {  	[dreg:$0x3] =	wrdreg s24  }
0xb0: {  	[dreg:$0x4] =	wrdreg $0x93000  }
0xb1: {  	[dreg:$0x5] =	wrdreg $0x1D3000  }
0xb2: {  	[dreg:$0x6] =	wrdreg $0x9  }
0xb3: {  	_ =	task.clear_ibuf [dreg:s7], $0x7FFFF;
	_ =	strace $0x90000046  }
0xb4: {  	s29 =	simm.s32 $0x9;
	_ =	strace $0x80000048  }
0xb5: {  	_ =	swait.ge [sflag:s29], $0x1  }
0xb6: {  	[sflag:s29] =	ssyncadd.s32 $0xFFFFFFFF  }
0xb7: {  	_ =	strace $0x90000048  }
0xb8: {  	_ =	sfence  }
0xb9: {  	s30 =	sld [smem:$0x0];
	_ =	sdelay $0x2  }
0xba: {  	s31 =	sshll.u32 s1, $0xD;
	s1 =	sshrl.u32 s1, $0x2  }
0xbb: {  	s3 =	sand.u32 $0x4000, s31;
	s1 =	sadd.s32 s1, s30  }
0xbc: {  	s0 =	sor.u32 s3, s0;
	s1 =	sshll.u32 s1, $0x11  }
0xbd: {  	s0 =	sor.u32 s1, s0  }
0xbe: {  	s0 =	sadd.s32 $0x8F2B, s0  }
0xbf: {  	[sflag:s0] =	ssyncadd.remote.s32 $0x1  }
0xc0: {  	_ =	sfence.sel $0xFFFF  }
0xc1: {  	[dreg:$0x0] =	wrdreg $0xFFFFFFFF;
	(pc) =	sbr.abs _section_cstart, $3  }
0xc2: {  	[dreg:$0x1] =	wrdreg $0xFFFFFFFF  }
0xc3: {  	_ =	task.clear_ibuf [dreg:s7], $0x2FFFF;
	_ =	strace $0x9FFFFFFF  }
0xc4: {  	(tm) =	ssettm $0x7FFFFFFF  }
0xc5: {  	_ =	shalt  }
tec
execute0_lowered:
.L_overlay_start_1:
0x0: {  	(tag) =	ssettag $0x1  }
0x1: {  	s0 =	rddreg [dreg:$0x0]  }
0x2: {  	s6 =	rddreg [dreg:$0x1]  }
0x3: {  	s3 =	rddreg [dreg:$0x2];
	s1 =	srdreg.scid  }
0x4: {  	s4 =	rddreg [dreg:$0x3];
	s2 =	stileid.u32;
	s5 =	simm.s32 $0x0  }
0x5: {  	s20 =	simm.s32 $0x5000;
	s21 =	simm.s32 $0x3;
	s22 =	simm.s32 $0x9080  }
0x6: {  	s23 =	simm.s32 $0x2800;
	s24 =	simm.s32 $0x80;
	s25 =	simm.s32 $0x1  }
0x7: {  	s28 =	simm.s32 $0x2;
	s29 =	simm.s32 $0x0;
	s9 =	smul.u32 $0x280, s2  }
0x8: {  	s7 =	sand.u32 $0x1, s1;
	[smem:$0x7FF] =	sst s5;
	s12 =	smul.u32 $0x50000, s2  }
0x9: {  	s8 =	sshll.u32 s7, $0x4;
	s10 =	smul.u32 $0x2800, s7;
	s7 =	ssub.s32 $0x2, s7  }
0xa: {  	_ =	strace $0x80000047;
	s8 =	sor.u32 s2, s8;
	s26 =	sshrl.u32 s7, $0x1  }
0xb: {  	s30 =	sshrl.u32 s12, $0x2;
	s8 =	smul.u32 $0x500, s8;
	s10 =	sadd.s32 s9, s10  }
0xc: {  	s31 =	ssub.s32 s7, s26;
	s7 =	sadd.s32 s9, s4;
	s26 =	simm.s32 $0x9000  }
0xd: {  	s11 =	sshll.u32 s10, $0x4;
	s10 =	sshrl.u32 s10, $0x3;
	s8 =	sadd.s32 s8, s6  }
0xe: {  	s19 =	sadd.s32 s11, s6;
	s10 =	sadd.s32 s10, s6;
	s6 =	sadd.s32 s30, s3  }
0xf: {  	s8 =	sadd.s32 $0x2E00, s8;
	s9 =	sadd.s32 $0xCE00, s10;
	s10 =	smax.u32 s31, $0x1  }
0x10: {  	s11 =	sadd.s32 $0x4000, s6;
	s12 =	sadd.s32 $0x8000, s6;
	s13 =	sadd.s32 $0xC000, s6  }
0x11: {  	s14 =	sadd.s32 $0x10000, s6;
	s15 =	sadd.s32 $0xD800, s19;
	s16 =	sadd.s32 $0xE000, s19  }
0x12: {  	v0 =	vimm.f32 $0.0e+00;
	v1 =	vimm.f32 $1.000000000e+00;
	s17 =	sadd.s32 $0xE800, s19;
	s18 =	sadd.s32 $0xF000, s19;
	s19 =	sadd.s32 $0xF800, s19  }
.LBB2_1:
0x13: {  	s30 =	simm.s32 $0x0;
	s31 =	simm.s32 $0x200  }
.LBB2_2:
0x14: {  	p0 =	sne.s32 s31, $0xFE00;
	[tilespmem:s30+$0x5070] =	vst v0  }
0x15: {  	[tilespmem:s30+$0x5000] =	vst v0  }
0x16: {  	[tilespmem:s30+$0x5010] =	vst v0  }
.Ltmp0:
0x17: {  	[tilespmem:s30+$0x5020] =	vst v0;
	(pc) =	sbr.rel @p0 .LBB2_2-.Ltmp0, $4  }
0x18: {  	[tilespmem:s30+$0x5030] =	vst v0  }
0x19: {  	[tilespmem:s30+$0x5040] =	vst v0  }
0x1a: {  	[tilespmem:s30+$0x5050] =	vst v0  }
0x1b: {  	[tilespmem:s30+$0x5060] =	vst v0;
	s30 =	sshra.s32 s31, $0x2;
	s31 =	sadd.s32 $0x200, s31  }
0x1c: {  	[tilespmem:s30+$0x5070] =	vst v0  }
0x1d: {  	[tilespmem:s30+$0x5000] =	vst v0  }
0x1e: {  	[tilespmem:s30+$0x5010] =	vst v0  }
0x1f: {  	[tilespmem:s30+$0x5020] =	vst v0  }
0x20: {  	[tilespmem:s30+$0x5030] =	vst v0  }
0x21: {  	[tilespmem:s30+$0x5040] =	vst v0  }
0x22: {  	[tilespmem:s30+$0x5050] =	vst v0  }
0x23: {  	[tilespmem:s30+$0x5060] =	vst v0  }
0x24: {  	[tilespmem:$0x9000] =	vst v1  }
0x25: {  	[tilespmem:$0x9010] =	vst v1  }
0x26: {  	[tilespmem:$0x9020] =	vst v1  }
0x27: {  	[tilespmem:$0x9030] =	vst v1  }
0x28: {  	[tilespmem:$0x9040] =	vst v1  }
0x29: {  	[tilespmem:$0x9050] =	vst v1  }
0x2a: {  	[tilespmem:$0x9060] =	vst v1  }
0x2b: {  	[tilespmem:$0x9070] =	vst v1  }
0x2c: {  	[tilespmem:$0x9080] =	vst v0  }
0x2d: {  	[tilespmem:$0x9090] =	vst v0  }
0x2e: {  	[tilespmem:$0x90A0] =	vst v0  }
0x2f: {  	[tilespmem:$0x90B0] =	vst v0  }
0x30: {  	[tilespmem:$0x90C0] =	vst v0  }
0x31: {  	[tilespmem:$0x90D0] =	vst v0  }
0x32: {  	[tilespmem:$0x90E0] =	vst v0  }
0x33: {  	[tilespmem:$0x90F0] =	vst v0  }
0x34: {  	[tilespmem:$0x9100] =	vst v0  }
0x35: {  	[tilespmem:$0x9110] =	vst v0  }
0x36: {  	[tilespmem:$0x9120] =	vst v0  }
0x37: {  	[tilespmem:$0x9130] =	vst v0  }
0x38: {  	[tilespmem:$0x9140] =	vst v0  }
0x39: {  	[tilespmem:$0x9150] =	vst v0  }
0x3a: {  	[tilespmem:$0x9160] =	vst v0  }
0x3b: {  	[tilespmem:$0x9170] =	vst v0  }
0x3c: {  	[tilespmem:$0x9180] =	vst v0  }
0x3d: {  	[tilespmem:$0x9190] =	vst v0  }
0x3e: {  	[tilespmem:$0x91A0] =	vst v0  }
0x3f: {  	[tilespmem:$0x91B0] =	vst v0  }
0x40: {  	[tilespmem:$0x91C0] =	vst v0  }
0x41: {  	[tilespmem:$0x91D0] =	vst v0  }
0x42: {  	[tilespmem:$0x91E0] =	vst v0  }
0x43: {  	[tilespmem:$0x91F0] =	vst v0  }
0x44: {  	[tilespmem:$0x9200] =	vst v0  }
0x45: {  	[tilespmem:$0x9210] =	vst v0  }
0x46: {  	[tilespmem:$0x9220] =	vst v0  }
0x47: {  	[tilespmem:$0x9230] =	vst v0  }
0x48: {  	[tilespmem:$0x9240] =	vst v0  }
0x49: {  	[tilespmem:$0x9250] =	vst v0  }
0x4a: {  	[tilespmem:$0x9260] =	vst v0  }
0x4b: {  	[tilespmem:$0x9270] =	vst v0  }
0x4c: {  	[tilespmem:$0x9280] =	vst v0  }
0x4d: {  	[tilespmem:$0x9290] =	vst v0  }
0x4e: {  	[tilespmem:$0x92A0] =	vst v0  }
0x4f: {  	[tilespmem:$0x92B0] =	vst v0  }
0x50: {  	[tilespmem:$0x92C0] =	vst v0  }
0x51: {  	[tilespmem:$0x92D0] =	vst v0  }
0x52: {  	[tilespmem:$0x92E0] =	vst v0  }
0x53: {  	[tilespmem:$0x92F0] =	vst v0  }
0x54: {  	[spmem:s6] =	stream.linear.scatter [tilespmem:s20], [sflag:$0x3], $0x4000, $0x38;
	[tilespmem:$0x1D580] =	vst v63  }
0x55: {  	_ =	swait.ge [sflag:s21], $0x4000  }
0x56: {  	[sflag:s21] =	ssyncset.done $0x0  }
0x57: {  	[sflag:s21] =	ssyncadd.s32 $0xFFFFC000  }
0x58: {  	[spmem:s11] =	stream.linear.scatter [tilespmem:s20], [sflag:$0x3], $0x4000, $0x38;
	[tilespmem:$0x1D580] =	vst v63  }
0x59: {  	_ =	swait.ge [sflag:s21], $0x4000  }
0x5a: {  	[sflag:s21] =	ssyncset.done $0x0  }
0x5b: {  	[sflag:s21] =	ssyncadd.s32 $0xFFFFC000  }
0x5c: {  	[spmem:s12] =	stream.linear.scatter [tilespmem:s20], [sflag:$0x3], $0x4000, $0x38;
	[tilespmem:$0x1D580] =	vst v63  }
0x5d: {  	_ =	swait.ge [sflag:s21], $0x4000  }
0x5e: {  	[sflag:s21] =	ssyncset.done $0x0  }
0x5f: {  	[sflag:s21] =	ssyncadd.s32 $0xFFFFC000  }
0x60: {  	[spmem:s13] =	stream.linear.scatter [tilespmem:s20], [sflag:$0x3], $0x4000, $0x38;
	[tilespmem:$0x1D580] =	vst v63  }
0x61: {  	_ =	swait.ge [sflag:s21], $0x4000  }
0x62: {  	[sflag:s21] =	ssyncset.done $0x0  }
0x63: {  	[sflag:s21] =	ssyncadd.s32 $0xFFFFC000  }
0x64: {  	[spmem:s14] =	stream.linear.scatter [tilespmem:s20], [sflag:$0x3], $0x4000, $0x38;
	[tilespmem:$0x1D580] =	vst v63  }
0x65: {  	_ =	swait.ge [sflag:s21], $0x4000  }
0x66: {  	[sflag:s21] =	ssyncset.done $0x0  }
0x67: {  	[sflag:s21] =	ssyncadd.s32 $0xFFFFC000  }
0x68: {  	[spmem:s7] =	stream.linear.scatter [tilespmem:s22], [sflag:$0x3], $0x280, $0x38;
	[tilespmem:$0x1D580] =	vst v63  }
0x69: {  	_ =	swait.ge [sflag:s21], $0x280  }
0x6a: {  	[sflag:s21] =	ssyncset.done $0x0  }
0x6b: {  	s30 =	simm.s32 $0x0;
	[sflag:s21] =	ssyncadd.s32 $0xFFFFFD80  }
0x6c: {  	[tilespmem:s23], [sflag:$0x3] =	stream.linear.gather [hbm4b:s8+s30], $0x2800, $0x38;
	[tilespmem:$0x1D580] =	vst v63  }
0x6d: {  	_ =	swait.ge [sflag:s21], $0x2800  }
0x6e: {  	[sflag:s21] =	ssyncset.done $0x0  }
0x6f: {  	s30 =	simm.s32 $0x0;
	[sflag:s21] =	ssyncadd.s32 $0xFFFFD800  }
0x70: {  	v2 =	vld [tilespmem:s30+$0x2800]  }
0x71: {  	v8 =	vld [tilespmem:s30+$0x2810]  }
0x72: {  	v7 =	vld [tilespmem:s30+$0x2820]  }
0x73: {  	v6 =	vld [tilespmem:s30+$0x2830]  }
0x74: {  	v4 =	vld [tilespmem:s30+$0x2840]  }
0x75: {  	v5 =	vld [tilespmem:s30+$0x2850];
	v3 =	vand.u32 $0x3FFF, v2  }
0x76: {  	s31 =	simm.s32 $0x200;
	v2 =	vshrl.u32 v2, $0xE;
	v9 =	vand.u32 $0x3FFF, v8;
	[tilespmem:s30+$0x2800] =	vst v3;
	v3 =	vshrl.u32 v8, $0xE;
	v8 =	vld [tilespmem:s30+$0x2860]  }
.LBB2_4:
0x77: {  	p0 =	sne.s32 s31, $0x9E00;
	[tilespmem:s30+$0x2810] =	vst v9;
	v9 =	vshrl.u32 v7, $0xE;
	v7 =	vand.u32 $0x3FFF, v7;
	v10 =	vld [tilespmem:s30+$0x2870]  }
0x78: {  	[tilespmem:s30+$0x2820] =	vst v7;
	v7 =	vshrl.u32 v6, $0xE;
	v6 =	vand.u32 $0x3FFF, v6  }
0x79: {  	[tilespmem:s30+$0x2830] =	vst v6;
	v6 =	vshrl.u32 v4, $0xE;
	v4 =	vand.u32 $0x3FFF, v4  }
0x7a: {  	[tilespmem:s30+$0x2840] =	vst v4;
	v4 =	vshrl.u32 v5, $0xE;
	v5 =	vand.u32 $0x3FFF, v5  }
0x7b: {  	[tilespmem:s30+$0x2850] =	vst v5;
	v5 =	vshrl.u32 v8, $0xE;
	v8 =	vand.u32 $0x3FFF, v8  }
0x7c: {  	[tilespmem:s30+$0x2860] =	vst v8;
	v8 =	vshrl.u32 v10, $0xE;
	v10 =	vand.u32 $0x3FFF, v10  }
0x7d: {  	[tilespmem:s30+$0x2870] =	vst v10  }
0x7e: {  	[tilespmem:s30+$0x0] =	vst v2  }
0x7f: {  	s1 =	sshra.s32 s31, $0x2;
	[tilespmem:s30+$0x10] =	vst v3  }
0x80: {  	v3 =	vld [tilespmem:s1+$0x2800];
	[tilespmem:s30+$0x20] =	vst v9  }
0x81: {  	v9 =	vld [tilespmem:s1+$0x2810];
	[tilespmem:s30+$0x30] =	vst v7  }
.Ltmp1:
0x82: {  	v7 =	vld [tilespmem:s1+$0x2820];
	[tilespmem:s30+$0x40] =	vst v6;
	(pc) =	sbr.rel @p0 .LBB2_4-.Ltmp1, $4  }
0x83: {  	v6 =	vld [tilespmem:s1+$0x2830];
	[tilespmem:s30+$0x50] =	vst v4  }
0x84: {  	v4 =	vld [tilespmem:s1+$0x2840];
	[tilespmem:s30+$0x60] =	vst v5  }
0x85: {  	v2 =	vshrl.u32 v3, $0xE;
	v3 =	vand.u32 $0x3FFF, v3;
	v5 =	vld [tilespmem:s1+$0x2850];
	[tilespmem:s30+$0x70] =	vst v8;
	s30 =	smov.u32 s1  }
0x86: {  	s31 =	sadd.s32 $0x200, s31;
	[tilespmem:s30+$0x2800] =	vst v3;
	v3 =	vshrl.u32 v9, $0xE;
	v9 =	vand.u32 $0x3FFF, v9;
	v8 =	vld [tilespmem:s30+$0x2860]  }
0x87: {  	[tilespmem:s30+$0x2810] =	vst v9  }
0x88: {  	[tilespmem:s30+$0x0] =	vst v2  }
0x89: {  	v58 =	vand.u32 $0x3FFF, v7;
	[tilespmem:s30+$0x10] =	vst v3  }
0x8a: {  	v2 =	vshrl.u32 v7, $0xE;
	[tilespmem:s30+$0x2820] =	vst v58  }
0x8b: {  	v59 =	vand.u32 $0x3FFF, v6;
	[tilespmem:s30+$0x20] =	vst v2  }
0x8c: {  	v3 =	vshrl.u32 v6, $0xE;
	[tilespmem:s30+$0x2830] =	vst v59  }
0x8d: {  	v60 =	vand.u32 $0x3FFF, v4;
	[tilespmem:s30+$0x30] =	vst v3  }
0x8e: {  	v10 =	vld [tilespmem:s30+$0x2870];
	v2 =	vshrl.u32 v4, $0xE;
	[tilespmem:s30+$0x2840] =	vst v60  }
0x8f: {  	v61 =	vand.u32 $0x3FFF, v5;
	[tilespmem:s30+$0x40] =	vst v2  }
0x90: {  	v3 =	vshrl.u32 v5, $0xE;
	[tilespmem:s30+$0x2850] =	vst v61  }
0x91: {  	v62 =	vand.u32 $0x3FFF, v8;
	[tilespmem:s30+$0x50] =	vst v3  }
0x92: {  	v2 =	vshrl.u32 v8, $0xE;
	[tilespmem:s30+$0x2860] =	vst v62  }
0x93: {  	v63 =	vand.u32 $0x3FFF, v10;
	[tilespmem:s30+$0x60] =	vst v2  }
0x94: {  	v3 =	vshrl.u32 v10, $0xE;
	[tilespmem:s30+$0x2870] =	vst v63  }
0x95: {  	[tilespmem:s30+$0x70] =	vst v3  }
0x96: {  	s1 =	simm.s32 $0x0;
	[bflag:$0x0] =	sbarrier.arrive $0xFFFF  }
0x97: {  	[tilespmem:s20], [sflag:$0x1] =	stream.indirect.gather [hbm4b:s0+s24], $0x80, s1, s24, $0xb8;
	[tilespmem:$0x1D580] =	vst v63  }
0x98: {  	_ =	swait.ge [sflag:s25], $0x4000  }
0x99: {  	[sflag:s25] =	ssyncset.done $0x0  }
0x9a: {  	s31 =	simm.s32 $0x2800;
	[sflag:s25] =	ssyncadd.s32 $0xFFFFC000  }
0x9b: {  	[spmem:s4] =	stream.indirect.scatter.add.f32 [tilespmem:s26], [sflag:$0x2], $0x1, s31, s24, $0xb8;
	[tilespmem:$0x1D580] =	vst v63  }
0x9c: {  	_ = 	snop  }
0x9d: {  	[spmem:s3] =	stream.indirect.scatter.add.f32 [tilespmem:s20], [sflag:$0x3], $0x80, s31, s24, $0xb8;
	[tilespmem:$0x1D580] =	vst v63  }
0x9e: {  	_ =	swait.ge [sflag:s21], $0x4000  }
0x9f: {  	s30 =	simm.s32 $0x200;
	[sflag:s21] =	ssyncset.done $0x0  }
.LBB2_6:
0xa0: {  	p0 =	sne.s32 s30, $0x9E00  }
0xa1: {  	[sflag:s21] =	ssyncadd.s32 $0xFFFFC000;
	s1 =	smov.u32 s30;
	s30 =	sadd.s32 $0x200, s30  }
0xa2: {  	s1 =	sshra.s32 s1, $0x2  }
0xa3: {  	[tilespmem:s20], [sflag:$0x1] =	stream.indirect.gather [hbm4b:s0+s24], $0x80, s1, s24, $0xb8;
	[tilespmem:$0x1D580] =	vst v63  }
0xa4: {  	_ =	swait.ge [sflag:s25], $0x4000  }
0xa5: {  	[sflag:s25] =	ssyncset.done $0x0  }
0xa6: {  	s1 =	sadd.s32 $0x2800, s1;
	[sflag:s25] =	ssyncadd.s32 $0xFFFFC000  }
0xa7: {  	[spmem:s4] =	stream.indirect.scatter.add.f32 [tilespmem:s26], [sflag:$0x2], $0x1, s1, s24, $0xb8;
	[tilespmem:$0x1D580] =	vst v63  }
.Ltmp2:
0xa8: {  	_ = 	snop;
	(pc) =	sbr.rel @p0 .LBB2_6-.Ltmp2, $4  }
0xa9: {  	_ = 	snop  }
0xaa: {  	[spmem:s3] =	stream.indirect.scatter.add.f32 [tilespmem:s20], [sflag:$0x3], $0x80, s1, s24, $0xb8;
	[tilespmem:$0x1D580] =	vst v63  }
0xab: {  	_ =	swait.ge [sflag:s21], $0x4000  }
0xac: {  	[sflag:s21] =	ssyncset.done $0x0  }
0xad: {  	[sflag:s21] =	ssyncadd.s32 $0xFFFFC000  }
0xae: {  	_ =	swait.ge [sflag:s28], $0x80  }
0xaf: {  	s30 =	simm.s32 $0x4F;
	[sflag:s28] =	ssyncset.done $0x0  }
.LBB2_8:
0xb0: {  	p0 =	sne.s32 s30, $0x1;
	s30 =	sadd.s32 $0xFFFFFFFF, s30;
	[sflag:s28] =	ssyncadd.s32 $0xFFFFFF80  }
.Ltmp3:
0xb1: {  	(pc) =	sbr.rel @p0 .LBB2_8-.Ltmp3, $3  }
0xb2: {  	_ =	sdelay $0x1  }
0xb3: {  	_ =	swait.ge [sflag:s28], $0x80  }
0xb4: {  	[sflag:s28] =	ssyncset.done $0x0  }
0xb5: {  	[sflag:s28] =	ssyncadd.s32 $0xFFFFFF80  }
0xb6: {  	[bflag:$0x0] =	sbarrier.arrive $0xFFFF  }
0xb7: {  	[tilespmem:s20], [sflag:$0x3] =	stream.linear.gather [spmem:s6], $0x4000, $0x38;
	[tilespmem:$0x1D580] =	vst v63  }
0xb8: {  	_ =	swait.ge [sflag:s21], $0x4000  }
0xb9: {  	[sflag:s21] =	ssyncset.done $0x0  }
0xba: {  	[sflag:s21] =	ssyncadd.s32 $0xFFFFC000  }
0xbb: {  	[hbm4b:s15+s5] =	stream.linear.scatter [tilespmem:s20], [sflag:$0x3], $0x4000, $0x38;
	[tilespmem:$0x1D580] =	vst v63  }
0xbc: {  	_ =	swait.ge [sflag:s21], $0x4000  }
0xbd: {  	[sflag:s21] =	ssyncset.done $0x0  }
0xbe: {  	[sflag:s21] =	ssyncadd.s32 $0xFFFFC000  }
0xbf: {  	[tilespmem:s20], [sflag:$0x3] =	stream.linear.gather [spmem:s11], $0x4000, $0x38;
	[tilespmem:$0x1D580] =	vst v63  }
0xc0: {  	_ =	swait.ge [sflag:s21], $0x4000  }
0xc1: {  	[sflag:s21] =	ssyncset.done $0x0  }
0xc2: {  	[sflag:s21] =	ssyncadd.s32 $0xFFFFC000  }
0xc3: {  	[hbm4b:s16+s5] =	stream.linear.scatter [tilespmem:s20], [sflag:$0x3], $0x4000, $0x38;
	[tilespmem:$0x1D580] =	vst v63  }
0xc4: {  	_ =	swait.ge [sflag:s21], $0x4000  }
0xc5: {  	[sflag:s21] =	ssyncset.done $0x0  }
0xc6: {  	[sflag:s21] =	ssyncadd.s32 $0xFFFFC000  }
0xc7: {  	[tilespmem:s20], [sflag:$0x3] =	stream.linear.gather [spmem:s12], $0x4000, $0x38;
	[tilespmem:$0x1D580] =	vst v63  }
0xc8: {  	_ =	swait.ge [sflag:s21], $0x4000  }
0xc9: {  	[sflag:s21] =	ssyncset.done $0x0  }
0xca: {  	[sflag:s21] =	ssyncadd.s32 $0xFFFFC000  }
0xcb: {  	[hbm4b:s17+s5] =	stream.linear.scatter [tilespmem:s20], [sflag:$0x3], $0x4000, $0x38;
	[tilespmem:$0x1D580] =	vst v63  }
0xcc: {  	_ =	swait.ge [sflag:s21], $0x4000  }
0xcd: {  	[sflag:s21] =	ssyncset.done $0x0  }
0xce: {  	[sflag:s21] =	ssyncadd.s32 $0xFFFFC000  }
0xcf: {  	[tilespmem:s20], [sflag:$0x3] =	stream.linear.gather [spmem:s13], $0x4000, $0x38;
	[tilespmem:$0x1D580] =	vst v63  }
0xd0: {  	_ =	swait.ge [sflag:s21], $0x4000  }
0xd1: {  	[sflag:s21] =	ssyncset.done $0x0  }
0xd2: {  	[sflag:s21] =	ssyncadd.s32 $0xFFFFC000  }
0xd3: {  	[hbm4b:s18+s5] =	stream.linear.scatter [tilespmem:s20], [sflag:$0x3], $0x4000, $0x38;
	[tilespmem:$0x1D580] =	vst v63  }
0xd4: {  	_ =	swait.ge [sflag:s21], $0x4000  }
0xd5: {  	[sflag:s21] =	ssyncset.done $0x0  }
0xd6: {  	[sflag:s21] =	ssyncadd.s32 $0xFFFFC000  }
0xd7: {  	[tilespmem:s20], [sflag:$0x3] =	stream.linear.gather [spmem:s14], $0x4000, $0x38;
	[tilespmem:$0x1D580] =	vst v63  }
0xd8: {  	_ =	swait.ge [sflag:s21], $0x4000  }
0xd9: {  	[sflag:s21] =	ssyncset.done $0x0  }
0xda: {  	[sflag:s21] =	ssyncadd.s32 $0xFFFFC000  }
0xdb: {  	[hbm4b:s19+s5] =	stream.linear.scatter [tilespmem:s20], [sflag:$0x3], $0x4000, $0x38;
	[tilespmem:$0x1D580] =	vst v63  }
0xdc: {  	_ =	swait.ge [sflag:s21], $0x4000  }
0xdd: {  	[sflag:s21] =	ssyncset.done $0x0  }
0xde: {  	[sflag:s21] =	ssyncadd.s32 $0xFFFFC000  }
0xdf: {  	[tilespmem:s22], [sflag:$0x3] =	stream.linear.gather [spmem:s7], $0x280, $0x38;
	[tilespmem:$0x1D580] =	vst v63  }
0xe0: {  	s29 =	sadd.s32 $0x1, s29;
	_ =	swait.ge [sflag:s21], $0x280  }
0xe1: {  	p0 =	sne.s32 s29, s10;
	[sflag:s21] =	ssyncset.done $0x0  }
.Ltmp4:
0xe2: {  	[sflag:s21] =	ssyncadd.s32 $0xFFFFFD80;
	(pc) =	sbr.rel @p0 .LBB2_1-.Ltmp4, $4  }
0xe3: {  	[hbm4b:s9+s5] =	stream.linear.scatter [tilespmem:s22], [sflag:$0x3], $0x280, $0x38;
	[tilespmem:$0x1D580] =	vst v63  }
0xe4: {  	_ =	swait.ge [sflag:s21], $0x280  }
0xe5: {  	[sflag:s21] =	ssyncset.done $0x0  }
0xe6: {  	[sflag:s21] =	ssyncadd.s32 $0xFFFFFD80  }
0xe7: {  	_ =	sfence.sel $0x180000  }
0xe8: {  	[bflag:$0x0] =	sbarrier.arrive $0xFFFF  }
0xe9: {  	_ =	strace $0x90000047  }
0xea: {  	[bflag:$0x2] =	sbarrier.arrive $0xFFFF  }
0xeb: {  	p0 =	sne.s32 s2, $0x0;
	s0 =	rddreg [dreg:$0x4]  }
0xec: {  	s0 =	sadd.s32 @!p0 $0x100000, s0  }
0xed: {  	[sflag:s0] =	ssyncadd.tile.s32 @!p0 $0x1;
	_ =	shalt  }
.Lfunc_end2:
_tile_overlayer_lowered:
.L_overlay_start_2:
0xee: {  	(tag) =	ssettag $0x2  }
0xef: {  	s0 =	rddreg [dreg:$0x0];
	s2 =	stileid.u32  }
0xf0: {  	s1 =	rddreg [dreg:$0x1];
	p0 =	sne.s32 s2, $0x0  }
0xf1: {  	s3 =	rddreg [dreg:$0x2];
	[bflag:$0x3] =	sbarrier.arrive $0xFFFF;
	s2 =	simm.s32 @!p0 $0x1C03  }
0xf2: {  	[timem:s3], [sflag:s2] =	dma.local @!p0 [hbm:s0], s1  }
0xf3: {  	s0 =	simm.s32 @!p0 $0x3  }
0xf4: {  	_ =	swait.ge @!p0 [sflag:s0], s1  }
0xf5: {  	s1 =	ssub.s32 @!p0 $0x0, s1;
	[sflag:s0] =	ssyncset.done @!p0 $0x0  }
0xf6: {  	[sflag:s0] =	ssyncadd.s32 @!p0 s1  }
0xf7: {  	[bflag:$0x3] =	sbarrier.arrive $0xFFFF  }
0xf8: {  	_ =	shalt  }

</sc_bundles>
